<compile_context>
chip_gen: v7x
topology: tpu7x:2x2x1
jax: 0.10.2.dev20260603
libtpu: 0.0.44.dev20260713+nightly
codegen_flags: <defaults>
</compile_context>

<pallas_src>
import numpy as np

import jax
import jax.numpy as jnp
from jax import lax
from jax.experimental import pallas as pl
from jax.experimental.pallas import tpu as pltpu
from jax.experimental.pallas import tpu_sc as plsc

T, E, D = 8192, 16, 1024
CAP = 1280
NC, NS = 2, 16
NW = NC * NS
TPW = T // NW
L = 16

_MESH = plsc.VectorSubcoreMesh(core_axis_name="c", subcore_axis_name="s")


def _route_body(logits_hbm, gv_hbm, logits_v, gv_v):
    wid = lax.axis_index("s") * NC + lax.axis_index("c")
    base = wid * TPW
    pltpu.sync_copy(logits_hbm.at[:, pl.ds(base, TPW)], logits_v)

    def body(g, carry):
        toff = g * L
        v = [logits_v[e, pl.ds(toff, L)] for e in range(E)]
        m1 = v[0]
        e0 = jnp.zeros((L,), jnp.int32)
        m2 = jnp.full((L,), -jnp.inf, jnp.float32)
        e1 = jnp.zeros((L,), jnp.int32)
        for e in range(1, E):
            upd1 = v[e] > m1
            upd2 = jnp.logical_and(jnp.logical_not(upd1), v[e] > m2)
            m2 = jnp.where(upd1, m1, jnp.where(upd2, v[e], m2))
            e1 = jnp.where(upd1, e0, jnp.where(upd2, e, e1))
            m1 = jnp.where(upd1, v[e], m1)
            e0 = jnp.where(upd1, e, e0)
        q = jnp.exp(m2 - m1)
        g1 = q / (1.0 + q)
        g0 = 1.0 - g1
        for e in range(E):
            gv_v[e, pl.ds(toff, L)] = jnp.where(
                e0 == e, g0, jnp.where(e1 == e, g1, 0.0))
        return carry

    lax.fori_loop(0, TPW // L, body, 0)
    pltpu.sync_copy(gv_v, gv_hbm.at[:, pl.ds(base, TPW)])


_route = pl.kernel(
    _route_body,
    out_type=jax.ShapeDtypeStruct((E, T), jnp.float32),
    mesh=_MESH,
    scratch_types=[
        pltpu.VMEM((E, TPW), jnp.float32),
        pltpu.VMEM((E, TPW), jnp.float32),
    ],
    compiler_params=pltpu.CompilerParams(needs_layout_passes=False),
)


_BT = 512
_NB = T // _BT

_TRIU = np.triu(np.ones((_BT, _BT), np.float32), 1)


def _tc_body(x_ref, gv_ref, triu_ref, y_ref, loads_ref, cnt_ref):
    i = pl.program_id(0)

    @pl.when(i == 0)
    def _():
        cnt_ref[...] = jnp.zeros_like(cnt_ref)

    gv = gv_ref[...]
    oh = (gv > 0.0).astype(jnp.float32)
    cum = jnp.dot(oh, triu_ref[...], preferred_element_type=jnp.float32)
    c = cum + cnt_ref[...]
    gvk = jnp.where(c < float(CAP), gv, 0.0)
    scale = lax.dot_general(
        gvk, jnp.full((E, 1), 1.0, jnp.float32),
        dimension_numbers=(((0,), (0,)), ((), ())),
        preferred_element_type=jnp.float32,
    )
    y_ref[...] = x_ref[...] * scale
    cnt_ref[...] = cnt_ref[...] + jnp.sum(oh, axis=1, keepdims=True)

    @pl.when(i == _NB - 1)
    def _():
        loads_ref[...] = jnp.minimum(cnt_ref[...], float(CAP))


def _tc_scan_scale(x, gv_t, triu):
    return pl.pallas_call(
        _tc_body,
        grid=(_NB,),
        in_specs=[
            pl.BlockSpec((_BT, D), lambda i: (i, 0)),
            pl.BlockSpec((E, _BT), lambda i: (0, i)),
            pl.BlockSpec((_BT, _BT), lambda i: (0, 0)),
        ],
        out_specs=[
            pl.BlockSpec((_BT, D), lambda i: (i, 0)),
            pl.BlockSpec((E, 1), lambda i: (0, 0)),
        ],
        out_shape=[
            jax.ShapeDtypeStruct((T, D), jnp.float32),
            jax.ShapeDtypeStruct((E, 1), jnp.float32),
        ],
        scratch_shapes=[pltpu.VMEM((E, 1), jnp.float32)],
    )(x, gv_t, triu)


@jax.jit
def kernel(x, router_logits):
    gv_t = _route(router_logits.T)
    y, loads = _tc_scan_scale(x, gv_t, jnp.asarray(_TRIU))
    return y, loads.reshape(E)

# --- scband reference (transcript-rebuilt; emitter-appended) ---
"""Pipeline reference for scband-router-base-88021059764705 (READ-ONLY COPY).

The authoritative reference and input builder live on the scoring server;
editing this copy changes nothing except your own understanding.
"""

import jax, jax.numpy as jnp
import numpy as np

T = 8192
E = 16
K = 2
D = 1024
CAP = int(1.25 * T * K / E)


def setup_inputs(seed: int = 0) -> dict:
    key = jax.random.key(seed)
    k1, k2 = jax.random.split(key)
    x = jax.random.normal(k1, (T, D), dtype=jnp.float32)
    router_logits = jax.random.normal(k2, (T, E), dtype=jnp.float32)
    return {"x": x, "router_logits": router_logits}


def reference(x, router_logits):
    # Canonical top-k MoE routing (dispatch + combine) as performed by a
    # RouterBase-derived router: softmax -> top-k gating -> capacity-limited
    # scatter dispatch to expert buffers -> gather + gated combine.
    probs = jax.nn.softmax(router_logits, axis=-1)
    gate_vals, expert_idx = jax.lax.top_k(probs, K)          # [T, K]
    gate_vals = gate_vals / jnp.sum(gate_vals, axis=-1, keepdims=True)
    eidx = expert_idx.reshape(-1)                            # [T*K] int32
    gflat = gate_vals.reshape(-1)                            # [T*K]
    # position of each routed token within its expert (arrival order)
    oh = jax.nn.one_hot(eidx, E, dtype=jnp.int32)            # [T*K, E]
    csum = jnp.cumsum(oh, axis=0)
    pos = jnp.take_along_axis(csum, eidx[:, None], axis=1)[:, 0] - 1
    keep = (pos < CAP).astype(x.dtype)                       # capacity drop mask
    posc = jnp.clip(pos, 0, CAP - 1)
    slot = eidx * CAP + posc                                 # flat slot in [E*CAP)
    token_idx = jnp.repeat(jnp.arange(T), K)                 # [T*K]
    xr = jnp.take(x, token_idx, axis=0)                      # gather tokens
    # dispatch: scatter tokens into per-expert capacity buffers
    dispatched = jnp.zeros((E * CAP, D), dtype=x.dtype).at[slot].add(xr * keep[:, None])
    # combine: gather routed activations back and apply gates
    gathered = jnp.take(dispatched, slot, axis=0)
    y = jnp.zeros((T, D), dtype=x.dtype).at[token_idx].add(gathered * (gflat * keep)[:, None])
    loads = jax.ops.segment_sum(keep, eidx, num_segments=E)  # per-expert load (capture stats)
    return y, loads

if __name__ == "__main__":
    import jax
    _d = setup_inputs()
    print(jax.jit(kernel)(*tuple(_d.values())))

</pallas_src>

<mosaic_0001>
#map = affine_map<(d0, d1) -> (0, 0)>
module attributes {stable_mosaic.version = 14 : i64} {
  func.func @_route_body(%arg0: i32, %arg1: i32, %arg2: memref<16x8192xf32, #tpu.memory_space<hbm>>, %arg3: memref<16x8192xf32, #tpu.memory_space<hbm>>, %arg4: memref<16x256xf32, #tpu.memory_space<vmem>>, %arg5: memref<16x256xf32, #tpu.memory_space<vmem>>) attributes {dimension_semantics = [#tpu.dimension_semantics<core_parallel>, #tpu.dimension_semantics<subcore_parallel>], iteration_bounds = array<i64: 2, 16>, scalar_prefetch = 0 : i64, scratch_operands = 2 : i64, tpu.core_type = #tpu.core_type<sc_vector_subcore>, window_params = [{transform_indices = #map}, {transform_indices = #map}]} {
    %mul3A = arith.constant 2 : i32
    %mul3A_0 = arith.muli %arg1, %mul3A : i32
    %add3A = arith.addi %mul3A_0, %arg0 : i32
    %mul3A_1 = arith.constant 256 : i32
    %mul3A_2 = arith.muli %add3A, %mul3A_1 : i32
    "tpu.region"() ({
      %run_scoped3A = tpu.sem_alloc : memref<!tpu.dma_semaphore, #tpu.memory_space<semaphore_mem>>
      %dma_start3A = arith.constant 0 : i32
      %dma_start3A_8 = tpu.memref_slice %arg2[%dma_start3A, %mul3A_2] : memref<16x8192xf32, #tpu.memory_space<hbm>> -> memref<16x256xf32, #tpu.memory_space<hbm>>
      %dma_start3A_9 = arith.constant 0 : i32
      %dma_start3A_10 = tpu.memref_slice %arg2[%dma_start3A_9, %mul3A_2] : memref<16x8192xf32, #tpu.memory_space<hbm>> -> memref<16x256xf32, #tpu.memory_space<hbm>>
      tpu.enqueue_dma source(%dma_start3A_10 : memref<16x256xf32, #tpu.memory_space<hbm>>) target(%arg4 : memref<16x256xf32, #tpu.memory_space<vmem>>) target_semaphore(%run_scoped3A : memref<!tpu.dma_semaphore, #tpu.memory_space<semaphore_mem>>)
      %dma_wait3A = arith.constant 0 : i32
      %dma_wait3A_11 = tpu.memref_slice %arg2[%dma_wait3A, %mul3A_2] : memref<16x8192xf32, #tpu.memory_space<hbm>> -> memref<16x256xf32, #tpu.memory_space<hbm>>
      %dma_wait3A_12 = arith.constant 0 : i32
      %dma_wait3A_13 = tpu.memref_slice %arg2[%dma_wait3A_12, %mul3A_2] : memref<16x8192xf32, #tpu.memory_space<hbm>> -> memref<16x256xf32, #tpu.memory_space<hbm>>
      tpu.wait_dma2 semaphore(%run_scoped3A : memref<!tpu.dma_semaphore, #tpu.memory_space<semaphore_mem>>) src(%dma_wait3A_13 : memref<16x256xf32, #tpu.memory_space<hbm>>) dst(%arg4 : memref<16x256xf32, #tpu.memory_space<vmem>>)
      tpu.yield
    }) : () -> ()
    %scan3A = arith.constant 0 : i32
    %scan3A_3 = arith.constant 0 : i32
    %scan3A_4 = arith.constant 16 : i32
    %scan3A_5 = arith.addi %scan3A_3, %scan3A_4 : i32
    %scan3A_6 = arith.constant 1 : i32
    scf.for %scan3A_8 = %scan3A_3 to %scan3A_5 step %scan3A_6  : i32 {
      %mul3A_9 = arith.constant 16 : i32
      %mul3A_10 = arith.muli %scan3A_8, %mul3A_9 : i32
      %get3A = arith.constant 0 : i32
      %get3A_11 = arith.index_cast %get3A : i32 to index
      %get3A_12 = arith.index_cast %mul3A_10 : i32 to index
      %get3A_13 = tpu.vector_load %arg4[%get3A_11, %get3A_12] {strides = array<i32>} : memref<16x256xf32, #tpu.memory_space<vmem>>, vector<16xf32>,
      %get3A_14 = arith.constant 1 : i32
      %get3A_15 = arith.index_cast %get3A_14 : i32 to index
      %get3A_16 = arith.index_cast %mul3A_10 : i32 to index
      %get3A_17 = tpu.vector_load %arg4[%get3A_15, %get3A_16] {strides = array<i32>} : memref<16x256xf32, #tpu.memory_space<vmem>>, vector<16xf32>,
      %get3A_18 = arith.constant 2 : i32
      %get3A_19 = arith.index_cast %get3A_18 : i32 to index
      %get3A_20 = arith.index_cast %mul3A_10 : i32 to index
      %get3A_21 = tpu.vector_load %arg4[%get3A_19, %get3A_20] {strides = array<i32>} : memref<16x256xf32, #tpu.memory_space<vmem>>, vector<16xf32>,
      %get3A_22 = arith.constant 3 : i32
      %get3A_23 = arith.index_cast %get3A_22 : i32 to index
      %get3A_24 = arith.index_cast %mul3A_10 : i32 to index
      %get3A_25 = tpu.vector_load %arg4[%get3A_23, %get3A_24] {strides = array<i32>} : memref<16x256xf32, #tpu.memory_space<vmem>>, vector<16xf32>,
      %get3A_26 = arith.constant 4 : i32
      %get3A_27 = arith.index_cast %get3A_26 : i32 to index
      %get3A_28 = arith.index_cast %mul3A_10 : i32 to index
      %get3A_29 = tpu.vector_load %arg4[%get3A_27, %get3A_28] {strides = array<i32>} : memref<16x256xf32, #tpu.memory_space<vmem>>, vector<16xf32>,
      %get3A_30 = arith.constant 5 : i32
      %get3A_31 = arith.index_cast %get3A_30 : i32 to index
      %get3A_32 = arith.index_cast %mul3A_10 : i32 to index
      %get3A_33 = tpu.vector_load %arg4[%get3A_31, %get3A_32] {strides = array<i32>} : memref<16x256xf32, #tpu.memory_space<vmem>>, vector<16xf32>,
      %get3A_34 = arith.constant 6 : i32
      %get3A_35 = arith.index_cast %get3A_34 : i32 to index
      %get3A_36 = arith.index_cast %mul3A_10 : i32 to index
      %get3A_37 = tpu.vector_load %arg4[%get3A_35, %get3A_36] {strides = array<i32>} : memref<16x256xf32, #tpu.memory_space<vmem>>, vector<16xf32>,
      %get3A_38 = arith.constant 7 : i32
      %get3A_39 = arith.index_cast %get3A_38 : i32 to index
      %get3A_40 = arith.index_cast %mul3A_10 : i32 to index
      %get3A_41 = tpu.vector_load %arg4[%get3A_39, %get3A_40] {strides = array<i32>} : memref<16x256xf32, #tpu.memory_space<vmem>>, vector<16xf32>,
      %get3A_42 = arith.constant 8 : i32
      %get3A_43 = arith.index_cast %get3A_42 : i32 to index
      %get3A_44 = arith.index_cast %mul3A_10 : i32 to index
      %get3A_45 = tpu.vector_load %arg4[%get3A_43, %get3A_44] {strides = array<i32>} : memref<16x256xf32, #tpu.memory_space<vmem>>, vector<16xf32>,
      %get3A_46 = arith.constant 9 : i32
      %get3A_47 = arith.index_cast %get3A_46 : i32 to index
      %get3A_48 = arith.index_cast %mul3A_10 : i32 to index
      %get3A_49 = tpu.vector_load %arg4[%get3A_47, %get3A_48] {strides = array<i32>} : memref<16x256xf32, #tpu.memory_space<vmem>>, vector<16xf32>,
      %get3A_50 = arith.constant 10 : i32
      %get3A_51 = arith.index_cast %get3A_50 : i32 to index
      %get3A_52 = arith.index_cast %mul3A_10 : i32 to index
      %get3A_53 = tpu.vector_load %arg4[%get3A_51, %get3A_52] {strides = array<i32>} : memref<16x256xf32, #tpu.memory_space<vmem>>, vector<16xf32>,
      %get3A_54 = arith.constant 11 : i32
      %get3A_55 = arith.index_cast %get3A_54 : i32 to index
      %get3A_56 = arith.index_cast %mul3A_10 : i32 to index
      %get3A_57 = tpu.vector_load %arg4[%get3A_55, %get3A_56] {strides = array<i32>} : memref<16x256xf32, #tpu.memory_space<vmem>>, vector<16xf32>,
      %get3A_58 = arith.constant 12 : i32
      %get3A_59 = arith.index_cast %get3A_58 : i32 to index
      %get3A_60 = arith.index_cast %mul3A_10 : i32 to index
      %get3A_61 = tpu.vector_load %arg4[%get3A_59, %get3A_60] {strides = array<i32>} : memref<16x256xf32, #tpu.memory_space<vmem>>, vector<16xf32>,
      %get3A_62 = arith.constant 13 : i32
      %get3A_63 = arith.index_cast %get3A_62 : i32 to index
      %get3A_64 = arith.index_cast %mul3A_10 : i32 to index
      %get3A_65 = tpu.vector_load %arg4[%get3A_63, %get3A_64] {strides = array<i32>} : memref<16x256xf32, #tpu.memory_space<vmem>>, vector<16xf32>,
      %get3A_66 = arith.constant 14 : i32
      %get3A_67 = arith.index_cast %get3A_66 : i32 to index
      %get3A_68 = arith.index_cast %mul3A_10 : i32 to index
      %get3A_69 = tpu.vector_load %arg4[%get3A_67, %get3A_68] {strides = array<i32>} : memref<16x256xf32, #tpu.memory_space<vmem>>, vector<16xf32>,
      %get3A_70 = arith.constant 15 : i32
      %get3A_71 = arith.index_cast %get3A_70 : i32 to index
      %get3A_72 = arith.index_cast %mul3A_10 : i32 to index
      %get3A_73 = tpu.vector_load %arg4[%get3A_71, %get3A_72] {strides = array<i32>} : memref<16x256xf32, #tpu.memory_space<vmem>>, vector<16xf32>,
      %broadcast_in_dim3A = arith.constant 0 : i32
      %broadcast_in_dim3A_74 = vector.broadcast %broadcast_in_dim3A : i32 to vector<16xi32>
      %broadcast_in_dim3A_75 = arith.constant 0xFF800000 : f32
      %broadcast_in_dim3A_76 = vector.broadcast %broadcast_in_dim3A_75 : f32 to vector<16xf32>
      %broadcast_in_dim3A_77 = arith.constant 0 : i32
      %broadcast_in_dim3A_78 = vector.broadcast %broadcast_in_dim3A_77 : i32 to vector<16xi32>
      %gt3A = arith.cmpf ogt, %get3A_17, %get3A_13 : vector<16xf32>
      %not3A = arith.constant dense<true> : vector<16xi1>
      %not3A_79 = arith.xori %gt3A, %not3A : vector<16xi1>
      %gt3A_80 = arith.cmpf ogt, %get3A_17, %broadcast_in_dim3A_76 : vector<16xf32>
      %and3A = arith.andi %not3A_79, %gt3A_80 : vector<16xi1>
      %select_n3A = arith.select %and3A, %get3A_17, %broadcast_in_dim3A_76 : vector<16xi1>, vector<16xf32>
      %select_n3A_81 = arith.select %gt3A, %get3A_13, %select_n3A : vector<16xi1>, vector<16xf32>
      %jit3A = arith.constant 1 : i32
      %broadcast_in_dim3A_82 = vector.broadcast %jit3A : i32 to vector<16xi32>
      %select_n3A_83 = arith.select %and3A, %broadcast_in_dim3A_82, %broadcast_in_dim3A_78 : vector<16xi1>, vector<16xi32>
      %select_n3A_84 = arith.select %gt3A, %broadcast_in_dim3A_74, %select_n3A_83 : vector<16xi1>, vector<16xi32>
      %select_n3A_85 = arith.select %gt3A, %get3A_17, %get3A_13 : vector<16xi1>, vector<16xf32>
      %jit3A_86 = arith.constant 1 : i32
      %broadcast_in_dim3A_87 = vector.broadcast %jit3A_86 : i32 to vector<16xi32>
      %select_n3A_88 = arith.select %gt3A, %broadcast_in_dim3A_87, %broadcast_in_dim3A_74 : vector<16xi1>, vector<16xi32>
      %gt3A_89 = arith.cmpf ogt, %get3A_21, %select_n3A_85 : vector<16xf32>
      %not3A_90 = arith.constant dense<true> : vector<16xi1>
      %not3A_91 = arith.xori %gt3A_89, %not3A_90 : vector<16xi1>
      %gt3A_92 = arith.cmpf ogt, %get3A_21, %select_n3A_81 : vector<16xf32>
      %and3A_93 = arith.andi %not3A_91, %gt3A_92 : vector<16xi1>
      %select_n3A_94 = arith.select %and3A_93, %get3A_21, %select_n3A_81 : vector<16xi1>, vector<16xf32>
      %select_n3A_95 = arith.select %gt3A_89, %select_n3A_85, %select_n3A_94 : vector<16xi1>, vector<16xf32>
      %jit3A_96 = arith.constant 2 : i32
      %broadcast_in_dim3A_97 = vector.broadcast %jit3A_96 : i32 to vector<16xi32>
      %select_n3A_98 = arith.select %and3A_93, %broadcast_in_dim3A_97, %select_n3A_84 : vector<16xi1>, vector<16xi32>
      %select_n3A_99 = arith.select %gt3A_89, %select_n3A_88, %select_n3A_98 : vector<16xi1>, vector<16xi32>
      %select_n3A_100 = arith.select %gt3A_89, %get3A_21, %select_n3A_85 : vector<16xi1>, vector<16xf32>
      %jit3A_101 = arith.constant 2 : i32
      %broadcast_in_dim3A_102 = vector.broadcast %jit3A_101 : i32 to vector<16xi32>
      %select_n3A_103 = arith.select %gt3A_89, %broadcast_in_dim3A_102, %select_n3A_88 : vector<16xi1>, vector<16xi32>
      %gt3A_104 = arith.cmpf ogt, %get3A_25, %select_n3A_100 : vector<16xf32>
      %not3A_105 = arith.constant dense<true> : vector<16xi1>
      %not3A_106 = arith.xori %gt3A_104, %not3A_105 : vector<16xi1>
      %gt3A_107 = arith.cmpf ogt, %get3A_25, %select_n3A_95 : vector<16xf32>
      %and3A_108 = arith.andi %not3A_106, %gt3A_107 : vector<16xi1>
      %select_n3A_109 = arith.select %and3A_108, %get3A_25, %select_n3A_95 : vector<16xi1>, vector<16xf32>
      %select_n3A_110 = arith.select %gt3A_104, %select_n3A_100, %select_n3A_109 : vector<16xi1>, vector<16xf32>
      %jit3A_111 = arith.constant 3 : i32
      %broadcast_in_dim3A_112 = vector.broadcast %jit3A_111 : i32 to vector<16xi32>
      %select_n3A_113 = arith.select %and3A_108, %broadcast_in_dim3A_112, %select_n3A_99 : vector<16xi1>, vector<16xi32>
      %select_n3A_114 = arith.select %gt3A_104, %select_n3A_103, %select_n3A_113 : vector<16xi1>, vector<16xi32>
      %select_n3A_115 = arith.select %gt3A_104, %get3A_25, %select_n3A_100 : vector<16xi1>, vector<16xf32>
      %jit3A_116 = arith.constant 3 : i32
      %broadcast_in_dim3A_117 = vector.broadcast %jit3A_116 : i32 to vector<16xi32>
      %select_n3A_118 = arith.select %gt3A_104, %broadcast_in_dim3A_117, %select_n3A_103 : vector<16xi1>, vector<16xi32>
      %gt3A_119 = arith.cmpf ogt, %get3A_29, %select_n3A_115 : vector<16xf32>
      %not3A_120 = arith.constant dense<true> : vector<16xi1>
      %not3A_121 = arith.xori %gt3A_119, %not3A_120 : vector<16xi1>
      %gt3A_122 = arith.cmpf ogt, %get3A_29, %select_n3A_110 : vector<16xf32>
      %and3A_123 = arith.andi %not3A_121, %gt3A_122 : vector<16xi1>
      %select_n3A_124 = arith.select %and3A_123, %get3A_29, %select_n3A_110 : vector<16xi1>, vector<16xf32>
      %select_n3A_125 = arith.select %gt3A_119, %select_n3A_115, %select_n3A_124 : vector<16xi1>, vector<16xf32>
      %jit3A_126 = arith.constant 4 : i32
      %broadcast_in_dim3A_127 = vector.broadcast %jit3A_126 : i32 to vector<16xi32>
      %select_n3A_128 = arith.select %and3A_123, %broadcast_in_dim3A_127, %select_n3A_114 : vector<16xi1>, vector<16xi32>
      %select_n3A_129 = arith.select %gt3A_119, %select_n3A_118, %select_n3A_128 : vector<16xi1>, vector<16xi32>
      %select_n3A_130 = arith.select %gt3A_119, %get3A_29, %select_n3A_115 : vector<16xi1>, vector<16xf32>
      %jit3A_131 = arith.constant 4 : i32
      %broadcast_in_dim3A_132 = vector.broadcast %jit3A_131 : i32 to vector<16xi32>
      %select_n3A_133 = arith.select %gt3A_119, %broadcast_in_dim3A_132, %select_n3A_118 : vector<16xi1>, vector<16xi32>
      %gt3A_134 = arith.cmpf ogt, %get3A_33, %select_n3A_130 : vector<16xf32>
      %not3A_135 = arith.constant dense<true> : vector<16xi1>
      %not3A_136 = arith.xori %gt3A_134, %not3A_135 : vector<16xi1>
      %gt3A_137 = arith.cmpf ogt, %get3A_33, %select_n3A_125 : vector<16xf32>
      %and3A_138 = arith.andi %not3A_136, %gt3A_137 : vector<16xi1>
      %select_n3A_139 = arith.select %and3A_138, %get3A_33, %select_n3A_125 : vector<16xi1>, vector<16xf32>
      %select_n3A_140 = arith.select %gt3A_134, %select_n3A_130, %select_n3A_139 : vector<16xi1>, vector<16xf32>
      %jit3A_141 = arith.constant 5 : i32
      %broadcast_in_dim3A_142 = vector.broadcast %jit3A_141 : i32 to vector<16xi32>
      %select_n3A_143 = arith.select %and3A_138, %broadcast_in_dim3A_142, %select_n3A_129 : vector<16xi1>, vector<16xi32>
      %select_n3A_144 = arith.select %gt3A_134, %select_n3A_133, %select_n3A_143 : vector<16xi1>, vector<16xi32>
      %select_n3A_145 = arith.select %gt3A_134, %get3A_33, %select_n3A_130 : vector<16xi1>, vector<16xf32>
      %jit3A_146 = arith.constant 5 : i32
      %broadcast_in_dim3A_147 = vector.broadcast %jit3A_146 : i32 to vector<16xi32>
      %select_n3A_148 = arith.select %gt3A_134, %broadcast_in_dim3A_147, %select_n3A_133 : vector<16xi1>, vector<16xi32>
      %gt3A_149 = arith.cmpf ogt, %get3A_37, %select_n3A_145 : vector<16xf32>
      %not3A_150 = arith.constant dense<true> : vector<16xi1>
      %not3A_151 = arith.xori %gt3A_149, %not3A_150 : vector<16xi1>
      %gt3A_152 = arith.cmpf ogt, %get3A_37, %select_n3A_140 : vector<16xf32>
      %and3A_153 = arith.andi %not3A_151, %gt3A_152 : vector<16xi1>
      %select_n3A_154 = arith.select %and3A_153, %get3A_37, %select_n3A_140 : vector<16xi1>, vector<16xf32>
      %select_n3A_155 = arith.select %gt3A_149, %select_n3A_145, %select_n3A_154 : vector<16xi1>, vector<16xf32>
      %jit3A_156 = arith.constant 6 : i32
      %broadcast_in_dim3A_157 = vector.broadcast %jit3A_156 : i32 to vector<16xi32>
      %select_n3A_158 = arith.select %and3A_153, %broadcast_in_dim3A_157, %select_n3A_144 : vector<16xi1>, vector<16xi32>
      %select_n3A_159 = arith.select %gt3A_149, %select_n3A_148, %select_n3A_158 : vector<16xi1>, vector<16xi32>
      %select_n3A_160 = arith.select %gt3A_149, %get3A_37, %select_n3A_145 : vector<16xi1>, vector<16xf32>
      %jit3A_161 = arith.constant 6 : i32
      %broadcast_in_dim3A_162 = vector.broadcast %jit3A_161 : i32 to vector<16xi32>
      %select_n3A_163 = arith.select %gt3A_149, %broadcast_in_dim3A_162, %select_n3A_148 : vector<16xi1>, vector<16xi32>
      %gt3A_164 = arith.cmpf ogt, %get3A_41, %select_n3A_160 : vector<16xf32>
      %not3A_165 = arith.constant dense<true> : vector<16xi1>
      %not3A_166 = arith.xori %gt3A_164, %not3A_165 : vector<16xi1>
      %gt3A_167 = arith.cmpf ogt, %get3A_41, %select_n3A_155 : vector<16xf32>
      %and3A_168 = arith.andi %not3A_166, %gt3A_167 : vector<16xi1>
      %select_n3A_169 = arith.select %and3A_168, %get3A_41, %select_n3A_155 : vector<16xi1>, vector<16xf32>
      %select_n3A_170 = arith.select %gt3A_164, %select_n3A_160, %select_n3A_169 : vector<16xi1>, vector<16xf32>
      %jit3A_171 = arith.constant 7 : i32
      %broadcast_in_dim3A_172 = vector.broadcast %jit3A_171 : i32 to vector<16xi32>
      %select_n3A_173 = arith.select %and3A_168, %broadcast_in_dim3A_172, %select_n3A_159 : vector<16xi1>, vector<16xi32>
      %select_n3A_174 = arith.select %gt3A_164, %select_n3A_163, %select_n3A_173 : vector<16xi1>, vector<16xi32>
      %select_n3A_175 = arith.select %gt3A_164, %get3A_41, %select_n3A_160 : vector<16xi1>, vector<16xf32>
      %jit3A_176 = arith.constant 7 : i32
      %broadcast_in_dim3A_177 = vector.broadcast %jit3A_176 : i32 to vector<16xi32>
      %select_n3A_178 = arith.select %gt3A_164, %broadcast_in_dim3A_177, %select_n3A_163 : vector<16xi1>, vector<16xi32>
      %gt3A_179 = arith.cmpf ogt, %get3A_45, %select_n3A_175 : vector<16xf32>
      %not3A_180 = arith.constant dense<true> : vector<16xi1>
      %not3A_181 = arith.xori %gt3A_179, %not3A_180 : vector<16xi1>
      %gt3A_182 = arith.cmpf ogt, %get3A_45, %select_n3A_170 : vector<16xf32>
      %and3A_183 = arith.andi %not3A_181, %gt3A_182 : vector<16xi1>
      %select_n3A_184 = arith.select %and3A_183, %get3A_45, %select_n3A_170 : vector<16xi1>, vector<16xf32>
      %select_n3A_185 = arith.select %gt3A_179, %select_n3A_175, %select_n3A_184 : vector<16xi1>, vector<16xf32>
      %jit3A_186 = arith.constant 8 : i32
      %broadcast_in_dim3A_187 = vector.broadcast %jit3A_186 : i32 to vector<16xi32>
      %select_n3A_188 = arith.select %and3A_183, %broadcast_in_dim3A_187, %select_n3A_174 : vector<16xi1>, vector<16xi32>
      %select_n3A_189 = arith.select %gt3A_179, %select_n3A_178, %select_n3A_188 : vector<16xi1>, vector<16xi32>
      %select_n3A_190 = arith.select %gt3A_179, %get3A_45, %select_n3A_175 : vector<16xi1>, vector<16xf32>
      %jit3A_191 = arith.constant 8 : i32
      %broadcast_in_dim3A_192 = vector.broadcast %jit3A_191 : i32 to vector<16xi32>
      %select_n3A_193 = arith.select %gt3A_179, %broadcast_in_dim3A_192, %select_n3A_178 : vector<16xi1>, vector<16xi32>
      %gt3A_194 = arith.cmpf ogt, %get3A_49, %select_n3A_190 : vector<16xf32>
      %not3A_195 = arith.constant dense<true> : vector<16xi1>
      %not3A_196 = arith.xori %gt3A_194, %not3A_195 : vector<16xi1>
      %gt3A_197 = arith.cmpf ogt, %get3A_49, %select_n3A_185 : vector<16xf32>
      %and3A_198 = arith.andi %not3A_196, %gt3A_197 : vector<16xi1>
      %select_n3A_199 = arith.select %and3A_198, %get3A_49, %select_n3A_185 : vector<16xi1>, vector<16xf32>
      %select_n3A_200 = arith.select %gt3A_194, %select_n3A_190, %select_n3A_199 : vector<16xi1>, vector<16xf32>
      %jit3A_201 = arith.constant 9 : i32
      %broadcast_in_dim3A_202 = vector.broadcast %jit3A_201 : i32 to vector<16xi32>
      %select_n3A_203 = arith.select %and3A_198, %broadcast_in_dim3A_202, %select_n3A_189 : vector<16xi1>, vector<16xi32>
      %select_n3A_204 = arith.select %gt3A_194, %select_n3A_193, %select_n3A_203 : vector<16xi1>, vector<16xi32>
      %select_n3A_205 = arith.select %gt3A_194, %get3A_49, %select_n3A_190 : vector<16xi1>, vector<16xf32>
      %jit3A_206 = arith.constant 9 : i32
      %broadcast_in_dim3A_207 = vector.broadcast %jit3A_206 : i32 to vector<16xi32>
      %select_n3A_208 = arith.select %gt3A_194, %broadcast_in_dim3A_207, %select_n3A_193 : vector<16xi1>, vector<16xi32>
      %gt3A_209 = arith.cmpf ogt, %get3A_53, %select_n3A_205 : vector<16xf32>
      %not3A_210 = arith.constant dense<true> : vector<16xi1>
      %not3A_211 = arith.xori %gt3A_209, %not3A_210 : vector<16xi1>
      %gt3A_212 = arith.cmpf ogt, %get3A_53, %select_n3A_200 : vector<16xf32>
      %and3A_213 = arith.andi %not3A_211, %gt3A_212 : vector<16xi1>
      %select_n3A_214 = arith.select %and3A_213, %get3A_53, %select_n3A_200 : vector<16xi1>, vector<16xf32>
      %select_n3A_215 = arith.select %gt3A_209, %select_n3A_205, %select_n3A_214 : vector<16xi1>, vector<16xf32>
      %jit3A_216 = arith.constant 10 : i32
      %broadcast_in_dim3A_217 = vector.broadcast %jit3A_216 : i32 to vector<16xi32>
      %select_n3A_218 = arith.select %and3A_213, %broadcast_in_dim3A_217, %select_n3A_204 : vector<16xi1>, vector<16xi32>
      %select_n3A_219 = arith.select %gt3A_209, %select_n3A_208, %select_n3A_218 : vector<16xi1>, vector<16xi32>
      %select_n3A_220 = arith.select %gt3A_209, %get3A_53, %select_n3A_205 : vector<16xi1>, vector<16xf32>
      %jit3A_221 = arith.constant 10 : i32
      %broadcast_in_dim3A_222 = vector.broadcast %jit3A_221 : i32 to vector<16xi32>
      %select_n3A_223 = arith.select %gt3A_209, %broadcast_in_dim3A_222, %select_n3A_208 : vector<16xi1>, vector<16xi32>
      %gt3A_224 = arith.cmpf ogt, %get3A_57, %select_n3A_220 : vector<16xf32>
      %not3A_225 = arith.constant dense<true> : vector<16xi1>
      %not3A_226 = arith.xori %gt3A_224, %not3A_225 : vector<16xi1>
      %gt3A_227 = arith.cmpf ogt, %get3A_57, %select_n3A_215 : vector<16xf32>
      %and3A_228 = arith.andi %not3A_226, %gt3A_227 : vector<16xi1>
      %select_n3A_229 = arith.select %and3A_228, %get3A_57, %select_n3A_215 : vector<16xi1>, vector<16xf32>
      %select_n3A_230 = arith.select %gt3A_224, %select_n3A_220, %select_n3A_229 : vector<16xi1>, vector<16xf32>
      %jit3A_231 = arith.constant 11 : i32
      %broadcast_in_dim3A_232 = vector.broadcast %jit3A_231 : i32 to vector<16xi32>
      %select_n3A_233 = arith.select %and3A_228, %broadcast_in_dim3A_232, %select_n3A_219 : vector<16xi1>, vector<16xi32>
      %select_n3A_234 = arith.select %gt3A_224, %select_n3A_223, %select_n3A_233 : vector<16xi1>, vector<16xi32>
      %select_n3A_235 = arith.select %gt3A_224, %get3A_57, %select_n3A_220 : vector<16xi1>, vector<16xf32>
      %jit3A_236 = arith.constant 11 : i32
      %broadcast_in_dim3A_237 = vector.broadcast %jit3A_236 : i32 to vector<16xi32>
      %select_n3A_238 = arith.select %gt3A_224, %broadcast_in_dim3A_237, %select_n3A_223 : vector<16xi1>, vector<16xi32>
      %gt3A_239 = arith.cmpf ogt, %get3A_61, %select_n3A_235 : vector<16xf32>
      %not3A_240 = arith.constant dense<true> : vector<16xi1>
      %not3A_241 = arith.xori %gt3A_239, %not3A_240 : vector<16xi1>
      %gt3A_242 = arith.cmpf ogt, %get3A_61, %select_n3A_230 : vector<16xf32>
      %and3A_243 = arith.andi %not3A_241, %gt3A_242 : vector<16xi1>
      %select_n3A_244 = arith.select %and3A_243, %get3A_61, %select_n3A_230 : vector<16xi1>, vector<16xf32>
      %select_n3A_245 = arith.select %gt3A_239, %select_n3A_235, %select_n3A_244 : vector<16xi1>, vector<16xf32>
      %jit3A_246 = arith.constant 12 : i32
      %broadcast_in_dim3A_247 = vector.broadcast %jit3A_246 : i32 to vector<16xi32>
      %select_n3A_248 = arith.select %and3A_243, %broadcast_in_dim3A_247, %select_n3A_234 : vector<16xi1>, vector<16xi32>
      %select_n3A_249 = arith.select %gt3A_239, %select_n3A_238, %select_n3A_248 : vector<16xi1>, vector<16xi32>
      %select_n3A_250 = arith.select %gt3A_239, %get3A_61, %select_n3A_235 : vector<16xi1>, vector<16xf32>
      %jit3A_251 = arith.constant 12 : i32
      %broadcast_in_dim3A_252 = vector.broadcast %jit3A_251 : i32 to vector<16xi32>
      %select_n3A_253 = arith.select %gt3A_239, %broadcast_in_dim3A_252, %select_n3A_238 : vector<16xi1>, vector<16xi32>
      %gt3A_254 = arith.cmpf ogt, %get3A_65, %select_n3A_250 : vector<16xf32>
      %not3A_255 = arith.constant dense<true> : vector<16xi1>
      %not3A_256 = arith.xori %gt3A_254, %not3A_255 : vector<16xi1>
      %gt3A_257 = arith.cmpf ogt, %get3A_65, %select_n3A_245 : vector<16xf32>
      %and3A_258 = arith.andi %not3A_256, %gt3A_257 : vector<16xi1>
      %select_n3A_259 = arith.select %and3A_258, %get3A_65, %select_n3A_245 : vector<16xi1>, vector<16xf32>
      %select_n3A_260 = arith.select %gt3A_254, %select_n3A_250, %select_n3A_259 : vector<16xi1>, vector<16xf32>
      %jit3A_261 = arith.constant 13 : i32
      %broadcast_in_dim3A_262 = vector.broadcast %jit3A_261 : i32 to vector<16xi32>
      %select_n3A_263 = arith.select %and3A_258, %broadcast_in_dim3A_262, %select_n3A_249 : vector<16xi1>, vector<16xi32>
      %select_n3A_264 = arith.select %gt3A_254, %select_n3A_253, %select_n3A_263 : vector<16xi1>, vector<16xi32>
      %select_n3A_265 = arith.select %gt3A_254, %get3A_65, %select_n3A_250 : vector<16xi1>, vector<16xf32>
      %jit3A_266 = arith.constant 13 : i32
      %broadcast_in_dim3A_267 = vector.broadcast %jit3A_266 : i32 to vector<16xi32>
      %select_n3A_268 = arith.select %gt3A_254, %broadcast_in_dim3A_267, %select_n3A_253 : vector<16xi1>, vector<16xi32>
      %gt3A_269 = arith.cmpf ogt, %get3A_69, %select_n3A_265 : vector<16xf32>
      %not3A_270 = arith.constant dense<true> : vector<16xi1>
      %not3A_271 = arith.xori %gt3A_269, %not3A_270 : vector<16xi1>
      %gt3A_272 = arith.cmpf ogt, %get3A_69, %select_n3A_260 : vector<16xf32>
      %and3A_273 = arith.andi %not3A_271, %gt3A_272 : vector<16xi1>
      %select_n3A_274 = arith.select %and3A_273, %get3A_69, %select_n3A_260 : vector<16xi1>, vector<16xf32>
      %select_n3A_275 = arith.select %gt3A_269, %select_n3A_265, %select_n3A_274 : vector<16xi1>, vector<16xf32>
      %jit3A_276 = arith.constant 14 : i32
      %broadcast_in_dim3A_277 = vector.broadcast %jit3A_276 : i32 to vector<16xi32>
      %select_n3A_278 = arith.select %and3A_273, %broadcast_in_dim3A_277, %select_n3A_264 : vector<16xi1>, vector<16xi32>
      %select_n3A_279 = arith.select %gt3A_269, %select_n3A_268, %select_n3A_278 : vector<16xi1>, vector<16xi32>
      %select_n3A_280 = arith.select %gt3A_269, %get3A_69, %select_n3A_265 : vector<16xi1>, vector<16xf32>
      %jit3A_281 = arith.constant 14 : i32
      %broadcast_in_dim3A_282 = vector.broadcast %jit3A_281 : i32 to vector<16xi32>
      %select_n3A_283 = arith.select %gt3A_269, %broadcast_in_dim3A_282, %select_n3A_268 : vector<16xi1>, vector<16xi32>
      %gt3A_284 = arith.cmpf ogt, %get3A_73, %select_n3A_280 : vector<16xf32>
      %not3A_285 = arith.constant dense<true> : vector<16xi1>
      %not3A_286 = arith.xori %gt3A_284, %not3A_285 : vector<16xi1>
      %gt3A_287 = arith.cmpf ogt, %get3A_73, %select_n3A_275 : vector<16xf32>
      %and3A_288 = arith.andi %not3A_286, %gt3A_287 : vector<16xi1>
      %select_n3A_289 = arith.select %and3A_288, %get3A_73, %select_n3A_275 : vector<16xi1>, vector<16xf32>
      %select_n3A_290 = arith.select %gt3A_284, %select_n3A_280, %select_n3A_289 : vector<16xi1>, vector<16xf32>
      %jit3A_291 = arith.constant 15 : i32
      %broadcast_in_dim3A_292 = vector.broadcast %jit3A_291 : i32 to vector<16xi32>
      %select_n3A_293 = arith.select %and3A_288, %broadcast_in_dim3A_292, %select_n3A_279 : vector<16xi1>, vector<16xi32>
      %select_n3A_294 = arith.select %gt3A_284, %select_n3A_283, %select_n3A_293 : vector<16xi1>, vector<16xi32>
      %select_n3A_295 = arith.select %gt3A_284, %get3A_73, %select_n3A_280 : vector<16xi1>, vector<16xf32>
      %jit3A_296 = arith.constant 15 : i32
      %broadcast_in_dim3A_297 = vector.broadcast %jit3A_296 : i32 to vector<16xi32>
      %select_n3A_298 = arith.select %gt3A_284, %broadcast_in_dim3A_297, %select_n3A_283 : vector<16xi1>, vector<16xi32>
      %sub3A = arith.subf %select_n3A_290, %select_n3A_295 : vector<16xf32>
      %exp3A = math.exp %sub3A : vector<16xf32>
      %add3A_299 = arith.constant 1.000000e+00 : f32
      %add3A_300 = vector.broadcast %add3A_299 : f32 to vector<16xf32>
      %add3A_301 = arith.addf %add3A_300, %exp3A : vector<16xf32>
      %div3A = arith.divf %exp3A, %add3A_301 : vector<16xf32>
      %sub3A_302 = arith.constant 1.000000e+00 : f32
      %sub3A_303 = vector.broadcast %sub3A_302 : f32 to vector<16xf32>
      %sub3A_304 = arith.subf %sub3A_303, %div3A : vector<16xf32>
      %eq3A = arith.constant 0 : i32
      %eq3A_305 = vector.broadcast %eq3A : i32 to vector<16xi32>
      %eq3A_306 = arith.cmpi eq, %select_n3A_298, %eq3A_305 : vector<16xi32>
      %eq3A_307 = arith.constant 0 : i32
      %eq3A_308 = vector.broadcast %eq3A_307 : i32 to vector<16xi32>
      %eq3A_309 = arith.cmpi eq, %select_n3A_294, %eq3A_308 : vector<16xi32>
      %jit3A_310 = arith.constant 0.000000e+00 : f32
      %broadcast_in_dim3A_311 = vector.broadcast %jit3A_310 : f32 to vector<16xf32>
      %select_n3A_312 = arith.select %eq3A_309, %div3A, %broadcast_in_dim3A_311 : vector<16xi1>, vector<16xf32>
      %select_n3A_313 = arith.select %eq3A_306, %sub3A_304, %select_n3A_312 : vector<16xi1>, vector<16xf32>
      %swap3A = arith.constant 0 : i32
      %swap3A_314 = arith.index_cast %swap3A : i32 to index
      %swap3A_315 = arith.index_cast %mul3A_10 : i32 to index
      %swap3A_316 = tpu.vector_load %arg5[%swap3A_314, %swap3A_315] {strides = array<i32>} : memref<16x256xf32, #tpu.memory_space<vmem>>, vector<16xf32>,
      tpu.vector_store %arg5[%swap3A_314, %swap3A_315], %select_n3A_313 {strides = array<i32>} : memref<16x256xf32, #tpu.memory_space<vmem>>, vector<16xf32>,
      %eq3A_317 = arith.constant 1 : i32
      %eq3A_318 = vector.broadcast %eq3A_317 : i32 to vector<16xi32>
      %eq3A_319 = arith.cmpi eq, %select_n3A_298, %eq3A_318 : vector<16xi32>
      %eq3A_320 = arith.constant 1 : i32
      %eq3A_321 = vector.broadcast %eq3A_320 : i32 to vector<16xi32>
      %eq3A_322 = arith.cmpi eq, %select_n3A_294, %eq3A_321 : vector<16xi32>
      %jit3A_323 = arith.constant 0.000000e+00 : f32
      %broadcast_in_dim3A_324 = vector.broadcast %jit3A_323 : f32 to vector<16xf32>
      %select_n3A_325 = arith.select %eq3A_322, %div3A, %broadcast_in_dim3A_324 : vector<16xi1>, vector<16xf32>
      %select_n3A_326 = arith.select %eq3A_319, %sub3A_304, %select_n3A_325 : vector<16xi1>, vector<16xf32>
      %swap3A_327 = arith.constant 1 : i32
      %swap3A_328 = arith.index_cast %swap3A_327 : i32 to index
      %swap3A_329 = arith.index_cast %mul3A_10 : i32 to index
      %swap3A_330 = tpu.vector_load %arg5[%swap3A_328, %swap3A_329] {strides = array<i32>} : memref<16x256xf32, #tpu.memory_space<vmem>>, vector<16xf32>,
      tpu.vector_store %arg5[%swap3A_328, %swap3A_329], %select_n3A_326 {strides = array<i32>} : memref<16x256xf32, #tpu.memory_space<vmem>>, vector<16xf32>,
      %eq3A_331 = arith.constant 2 : i32
      %eq3A_332 = vector.broadcast %eq3A_331 : i32 to vector<16xi32>
      %eq3A_333 = arith.cmpi eq, %select_n3A_298, %eq3A_332 : vector<16xi32>
      %eq3A_334 = arith.constant 2 : i32
      %eq3A_335 = vector.broadcast %eq3A_334 : i32 to vector<16xi32>
      %eq3A_336 = arith.cmpi eq, %select_n3A_294, %eq3A_335 : vector<16xi32>
      %jit3A_337 = arith.constant 0.000000e+00 : f32
      %broadcast_in_dim3A_338 = vector.broadcast %jit3A_337 : f32 to vector<16xf32>
      %select_n3A_339 = arith.select %eq3A_336, %div3A, %broadcast_in_dim3A_338 : vector<16xi1>, vector<16xf32>
      %select_n3A_340 = arith.select %eq3A_333, %sub3A_304, %select_n3A_339 : vector<16xi1>, vector<16xf32>
      %swap3A_341 = arith.constant 2 : i32
      %swap3A_342 = arith.index_cast %swap3A_341 : i32 to index
      %swap3A_343 = arith.index_cast %mul3A_10 : i32 to index
      %swap3A_344 = tpu.vector_load %arg5[%swap3A_342, %swap3A_343] {strides = array<i32>} : memref<16x256xf32, #tpu.memory_space<vmem>>, vector<16xf32>,
      tpu.vector_store %arg5[%swap3A_342, %swap3A_343], %select_n3A_340 {strides = array<i32>} : memref<16x256xf32, #tpu.memory_space<vmem>>, vector<16xf32>,
      %eq3A_345 = arith.constant 3 : i32
      %eq3A_346 = vector.broadcast %eq3A_345 : i32 to vector<16xi32>
      %eq3A_347 = arith.cmpi eq, %select_n3A_298, %eq3A_346 : vector<16xi32>
      %eq3A_348 = arith.constant 3 : i32
      %eq3A_349 = vector.broadcast %eq3A_348 : i32 to vector<16xi32>
      %eq3A_350 = arith.cmpi eq, %select_n3A_294, %eq3A_349 : vector<16xi32>
      %jit3A_351 = arith.constant 0.000000e+00 : f32
      %broadcast_in_dim3A_352 = vector.broadcast %jit3A_351 : f32 to vector<16xf32>
      %select_n3A_353 = arith.select %eq3A_350, %div3A, %broadcast_in_dim3A_352 : vector<16xi1>, vector<16xf32>
      %select_n3A_354 = arith.select %eq3A_347, %sub3A_304, %select_n3A_353 : vector<16xi1>, vector<16xf32>
      %swap3A_355 = arith.constant 3 : i32
      %swap3A_356 = arith.index_cast %swap3A_355 : i32 to index
      %swap3A_357 = arith.index_cast %mul3A_10 : i32 to index
      %swap3A_358 = tpu.vector_load %arg5[%swap3A_356, %swap3A_357] {strides = array<i32>} : memref<16x256xf32, #tpu.memory_space<vmem>>, vector<16xf32>,
      tpu.vector_store %arg5[%swap3A_356, %swap3A_357], %select_n3A_354 {strides = array<i32>} : memref<16x256xf32, #tpu.memory_space<vmem>>, vector<16xf32>,
      %eq3A_359 = arith.constant 4 : i32
      %eq3A_360 = vector.broadcast %eq3A_359 : i32 to vector<16xi32>
      %eq3A_361 = arith.cmpi eq, %select_n3A_298, %eq3A_360 : vector<16xi32>
      %eq3A_362 = arith.constant 4 : i32
      %eq3A_363 = vector.broadcast %eq3A_362 : i32 to vector<16xi32>
      %eq3A_364 = arith.cmpi eq, %select_n3A_294, %eq3A_363 : vector<16xi32>
      %jit3A_365 = arith.constant 0.000000e+00 : f32
      %broadcast_in_dim3A_366 = vector.broadcast %jit3A_365 : f32 to vector<16xf32>
      %select_n3A_367 = arith.select %eq3A_364, %div3A, %broadcast_in_dim3A_366 : vector<16xi1>, vector<16xf32>
      %select_n3A_368 = arith.select %eq3A_361, %sub3A_304, %select_n3A_367 : vector<16xi1>, vector<16xf32>
      %swap3A_369 = arith.constant 4 : i32
      %swap3A_370 = arith.index_cast %swap3A_369 : i32 to index
      %swap3A_371 = arith.index_cast %mul3A_10 : i32 to index
      %swap3A_372 = tpu.vector_load %arg5[%swap3A_370, %swap3A_371] {strides = array<i32>} : memref<16x256xf32, #tpu.memory_space<vmem>>, vector<16xf32>,
      tpu.vector_store %arg5[%swap3A_370, %swap3A_371], %select_n3A_368 {strides = array<i32>} : memref<16x256xf32, #tpu.memory_space<vmem>>, vector<16xf32>,
      %eq3A_373 = arith.constant 5 : i32
      %eq3A_374 = vector.broadcast %eq3A_373 : i32 to vector<16xi32>
      %eq3A_375 = arith.cmpi eq, %select_n3A_298, %eq3A_374 : vector<16xi32>
      %eq3A_376 = arith.constant 5 : i32
      %eq3A_377 = vector.broadcast %eq3A_376 : i32 to vector<16xi32>
      %eq3A_378 = arith.cmpi eq, %select_n3A_294, %eq3A_377 : vector<16xi32>
      %jit3A_379 = arith.constant 0.000000e+00 : f32
      %broadcast_in_dim3A_380 = vector.broadcast %jit3A_379 : f32 to vector<16xf32>
      %select_n3A_381 = arith.select %eq3A_378, %div3A, %broadcast_in_dim3A_380 : vector<16xi1>, vector<16xf32>
      %select_n3A_382 = arith.select %eq3A_375, %sub3A_304, %select_n3A_381 : vector<16xi1>, vector<16xf32>
      %swap3A_383 = arith.constant 5 : i32
      %swap3A_384 = arith.index_cast %swap3A_383 : i32 to index
      %swap3A_385 = arith.index_cast %mul3A_10 : i32 to index
      %swap3A_386 = tpu.vector_load %arg5[%swap3A_384, %swap3A_385] {strides = array<i32>} : memref<16x256xf32, #tpu.memory_space<vmem>>, vector<16xf32>,
      tpu.vector_store %arg5[%swap3A_384, %swap3A_385], %select_n3A_382 {strides = array<i32>} : memref<16x256xf32, #tpu.memory_space<vmem>>, vector<16xf32>,
      %eq3A_387 = arith.constant 6 : i32
      %eq3A_388 = vector.broadcast %eq3A_387 : i32 to vector<16xi32>
      %eq3A_389 = arith.cmpi eq, %select_n3A_298, %eq3A_388 : vector<16xi32>
      %eq3A_390 = arith.constant 6 : i32
      %eq3A_391 = vector.broadcast %eq3A_390 : i32 to vector<16xi32>
      %eq3A_392 = arith.cmpi eq, %select_n3A_294, %eq3A_391 : vector<16xi32>
      %jit3A_393 = arith.constant 0.000000e+00 : f32
      %broadcast_in_dim3A_394 = vector.broadcast %jit3A_393 : f32 to vector<16xf32>
      %select_n3A_395 = arith.select %eq3A_392, %div3A, %broadcast_in_dim3A_394 : vector<16xi1>, vector<16xf32>
      %select_n3A_396 = arith.select %eq3A_389, %sub3A_304, %select_n3A_395 : vector<16xi1>, vector<16xf32>
      %swap3A_397 = arith.constant 6 : i32
      %swap3A_398 = arith.index_cast %swap3A_397 : i32 to index
      %swap3A_399 = arith.index_cast %mul3A_10 : i32 to index
      %swap3A_400 = tpu.vector_load %arg5[%swap3A_398, %swap3A_399] {strides = array<i32>} : memref<16x256xf32, #tpu.memory_space<vmem>>, vector<16xf32>,
      tpu.vector_store %arg5[%swap3A_398, %swap3A_399], %select_n3A_396 {strides = array<i32>} : memref<16x256xf32, #tpu.memory_space<vmem>>, vector<16xf32>,
      %eq3A_401 = arith.constant 7 : i32
      %eq3A_402 = vector.broadcast %eq3A_401 : i32 to vector<16xi32>
      %eq3A_403 = arith.cmpi eq, %select_n3A_298, %eq3A_402 : vector<16xi32>
      %eq3A_404 = arith.constant 7 : i32
      %eq3A_405 = vector.broadcast %eq3A_404 : i32 to vector<16xi32>
      %eq3A_406 = arith.cmpi eq, %select_n3A_294, %eq3A_405 : vector<16xi32>
      %jit3A_407 = arith.constant 0.000000e+00 : f32
      %broadcast_in_dim3A_408 = vector.broadcast %jit3A_407 : f32 to vector<16xf32>
      %select_n3A_409 = arith.select %eq3A_406, %div3A, %broadcast_in_dim3A_408 : vector<16xi1>, vector<16xf32>
      %select_n3A_410 = arith.select %eq3A_403, %sub3A_304, %select_n3A_409 : vector<16xi1>, vector<16xf32>
      %swap3A_411 = arith.constant 7 : i32
      %swap3A_412 = arith.index_cast %swap3A_411 : i32 to index
      %swap3A_413 = arith.index_cast %mul3A_10 : i32 to index
      %swap3A_414 = tpu.vector_load %arg5[%swap3A_412, %swap3A_413] {strides = array<i32>} : memref<16x256xf32, #tpu.memory_space<vmem>>, vector<16xf32>,
      tpu.vector_store %arg5[%swap3A_412, %swap3A_413], %select_n3A_410 {strides = array<i32>} : memref<16x256xf32, #tpu.memory_space<vmem>>, vector<16xf32>,
      %eq3A_415 = arith.constant 8 : i32
      %eq3A_416 = vector.broadcast %eq3A_415 : i32 to vector<16xi32>
      %eq3A_417 = arith.cmpi eq, %select_n3A_298, %eq3A_416 : vector<16xi32>
      %eq3A_418 = arith.constant 8 : i32
      %eq3A_419 = vector.broadcast %eq3A_418 : i32 to vector<16xi32>
      %eq3A_420 = arith.cmpi eq, %select_n3A_294, %eq3A_419 : vector<16xi32>
      %jit3A_421 = arith.constant 0.000000e+00 : f32
      %broadcast_in_dim3A_422 = vector.broadcast %jit3A_421 : f32 to vector<16xf32>
      %select_n3A_423 = arith.select %eq3A_420, %div3A, %broadcast_in_dim3A_422 : vector<16xi1>, vector<16xf32>
      %select_n3A_424 = arith.select %eq3A_417, %sub3A_304, %select_n3A_423 : vector<16xi1>, vector<16xf32>
      %swap3A_425 = arith.constant 8 : i32
      %swap3A_426 = arith.index_cast %swap3A_425 : i32 to index
      %swap3A_427 = arith.index_cast %mul3A_10 : i32 to index
      %swap3A_428 = tpu.vector_load %arg5[%swap3A_426, %swap3A_427] {strides = array<i32>} : memref<16x256xf32, #tpu.memory_space<vmem>>, vector<16xf32>,
      tpu.vector_store %arg5[%swap3A_426, %swap3A_427], %select_n3A_424 {strides = array<i32>} : memref<16x256xf32, #tpu.memory_space<vmem>>, vector<16xf32>,
      %eq3A_429 = arith.constant 9 : i32
      %eq3A_430 = vector.broadcast %eq3A_429 : i32 to vector<16xi32>
      %eq3A_431 = arith.cmpi eq, %select_n3A_298, %eq3A_430 : vector<16xi32>
      %eq3A_432 = arith.constant 9 : i32
      %eq3A_433 = vector.broadcast %eq3A_432 : i32 to vector<16xi32>
      %eq3A_434 = arith.cmpi eq, %select_n3A_294, %eq3A_433 : vector<16xi32>
      %jit3A_435 = arith.constant 0.000000e+00 : f32
      %broadcast_in_dim3A_436 = vector.broadcast %jit3A_435 : f32 to vector<16xf32>
      %select_n3A_437 = arith.select %eq3A_434, %div3A, %broadcast_in_dim3A_436 : vector<16xi1>, vector<16xf32>
      %select_n3A_438 = arith.select %eq3A_431, %sub3A_304, %select_n3A_437 : vector<16xi1>, vector<16xf32>
      %swap3A_439 = arith.constant 9 : i32
      %swap3A_440 = arith.index_cast %swap3A_439 : i32 to index
      %swap3A_441 = arith.index_cast %mul3A_10 : i32 to index
      %swap3A_442 = tpu.vector_load %arg5[%swap3A_440, %swap3A_441] {strides = array<i32>} : memref<16x256xf32, #tpu.memory_space<vmem>>, vector<16xf32>,
      tpu.vector_store %arg5[%swap3A_440, %swap3A_441], %select_n3A_438 {strides = array<i32>} : memref<16x256xf32, #tpu.memory_space<vmem>>, vector<16xf32>,
      %eq3A_443 = arith.constant 10 : i32
      %eq3A_444 = vector.broadcast %eq3A_443 : i32 to vector<16xi32>
      %eq3A_445 = arith.cmpi eq, %select_n3A_298, %eq3A_444 : vector<16xi32>
      %eq3A_446 = arith.constant 10 : i32
      %eq3A_447 = vector.broadcast %eq3A_446 : i32 to vector<16xi32>
      %eq3A_448 = arith.cmpi eq, %select_n3A_294, %eq3A_447 : vector<16xi32>
      %jit3A_449 = arith.constant 0.000000e+00 : f32
      %broadcast_in_dim3A_450 = vector.broadcast %jit3A_449 : f32 to vector<16xf32>
      %select_n3A_451 = arith.select %eq3A_448, %div3A, %broadcast_in_dim3A_450 : vector<16xi1>, vector<16xf32>
      %select_n3A_452 = arith.select %eq3A_445, %sub3A_304, %select_n3A_451 : vector<16xi1>, vector<16xf32>
      %swap3A_453 = arith.constant 10 : i32
      %swap3A_454 = arith.index_cast %swap3A_453 : i32 to index
      %swap3A_455 = arith.index_cast %mul3A_10 : i32 to index
      %swap3A_456 = tpu.vector_load %arg5[%swap3A_454, %swap3A_455] {strides = array<i32>} : memref<16x256xf32, #tpu.memory_space<vmem>>, vector<16xf32>,
      tpu.vector_store %arg5[%swap3A_454, %swap3A_455], %select_n3A_452 {strides = array<i32>} : memref<16x256xf32, #tpu.memory_space<vmem>>, vector<16xf32>,
      %eq3A_457 = arith.constant 11 : i32
      %eq3A_458 = vector.broadcast %eq3A_457 : i32 to vector<16xi32>
      %eq3A_459 = arith.cmpi eq, %select_n3A_298, %eq3A_458 : vector<16xi32>
      %eq3A_460 = arith.constant 11 : i32
      %eq3A_461 = vector.broadcast %eq3A_460 : i32 to vector<16xi32>
      %eq3A_462 = arith.cmpi eq, %select_n3A_294, %eq3A_461 : vector<16xi32>
      %jit3A_463 = arith.constant 0.000000e+00 : f32
      %broadcast_in_dim3A_464 = vector.broadcast %jit3A_463 : f32 to vector<16xf32>
      %select_n3A_465 = arith.select %eq3A_462, %div3A, %broadcast_in_dim3A_464 : vector<16xi1>, vector<16xf32>
      %select_n3A_466 = arith.select %eq3A_459, %sub3A_304, %select_n3A_465 : vector<16xi1>, vector<16xf32>
      %swap3A_467 = arith.constant 11 : i32
      %swap3A_468 = arith.index_cast %swap3A_467 : i32 to index
      %swap3A_469 = arith.index_cast %mul3A_10 : i32 to index
      %swap3A_470 = tpu.vector_load %arg5[%swap3A_468, %swap3A_469] {strides = array<i32>} : memref<16x256xf32, #tpu.memory_space<vmem>>, vector<16xf32>,
      tpu.vector_store %arg5[%swap3A_468, %swap3A_469], %select_n3A_466 {strides = array<i32>} : memref<16x256xf32, #tpu.memory_space<vmem>>, vector<16xf32>,
      %eq3A_471 = arith.constant 12 : i32
      %eq3A_472 = vector.broadcast %eq3A_471 : i32 to vector<16xi32>
      %eq3A_473 = arith.cmpi eq, %select_n3A_298, %eq3A_472 : vector<16xi32>
      %eq3A_474 = arith.constant 12 : i32
      %eq3A_475 = vector.broadcast %eq3A_474 : i32 to vector<16xi32>
      %eq3A_476 = arith.cmpi eq, %select_n3A_294, %eq3A_475 : vector<16xi32>
      %jit3A_477 = arith.constant 0.000000e+00 : f32
      %broadcast_in_dim3A_478 = vector.broadcast %jit3A_477 : f32 to vector<16xf32>
      %select_n3A_479 = arith.select %eq3A_476, %div3A, %broadcast_in_dim3A_478 : vector<16xi1>, vector<16xf32>
      %select_n3A_480 = arith.select %eq3A_473, %sub3A_304, %select_n3A_479 : vector<16xi1>, vector<16xf32>
      %swap3A_481 = arith.constant 12 : i32
      %swap3A_482 = arith.index_cast %swap3A_481 : i32 to index
      %swap3A_483 = arith.index_cast %mul3A_10 : i32 to index
      %swap3A_484 = tpu.vector_load %arg5[%swap3A_482, %swap3A_483] {strides = array<i32>} : memref<16x256xf32, #tpu.memory_space<vmem>>, vector<16xf32>,
      tpu.vector_store %arg5[%swap3A_482, %swap3A_483], %select_n3A_480 {strides = array<i32>} : memref<16x256xf32, #tpu.memory_space<vmem>>, vector<16xf32>,
      %eq3A_485 = arith.constant 13 : i32
      %eq3A_486 = vector.broadcast %eq3A_485 : i32 to vector<16xi32>
      %eq3A_487 = arith.cmpi eq, %select_n3A_298, %eq3A_486 : vector<16xi32>
      %eq3A_488 = arith.constant 13 : i32
      %eq3A_489 = vector.broadcast %eq3A_488 : i32 to vector<16xi32>
      %eq3A_490 = arith.cmpi eq, %select_n3A_294, %eq3A_489 : vector<16xi32>
      %jit3A_491 = arith.constant 0.000000e+00 : f32
      %broadcast_in_dim3A_492 = vector.broadcast %jit3A_491 : f32 to vector<16xf32>
      %select_n3A_493 = arith.select %eq3A_490, %div3A, %broadcast_in_dim3A_492 : vector<16xi1>, vector<16xf32>
      %select_n3A_494 = arith.select %eq3A_487, %sub3A_304, %select_n3A_493 : vector<16xi1>, vector<16xf32>
      %swap3A_495 = arith.constant 13 : i32
      %swap3A_496 = arith.index_cast %swap3A_495 : i32 to index
      %swap3A_497 = arith.index_cast %mul3A_10 : i32 to index
      %swap3A_498 = tpu.vector_load %arg5[%swap3A_496, %swap3A_497] {strides = array<i32>} : memref<16x256xf32, #tpu.memory_space<vmem>>, vector<16xf32>,
      tpu.vector_store %arg5[%swap3A_496, %swap3A_497], %select_n3A_494 {strides = array<i32>} : memref<16x256xf32, #tpu.memory_space<vmem>>, vector<16xf32>,
      %eq3A_499 = arith.constant 14 : i32
      %eq3A_500 = vector.broadcast %eq3A_499 : i32 to vector<16xi32>
      %eq3A_501 = arith.cmpi eq, %select_n3A_298, %eq3A_500 : vector<16xi32>
      %eq3A_502 = arith.constant 14 : i32
      %eq3A_503 = vector.broadcast %eq3A_502 : i32 to vector<16xi32>
      %eq3A_504 = arith.cmpi eq, %select_n3A_294, %eq3A_503 : vector<16xi32>
      %jit3A_505 = arith.constant 0.000000e+00 : f32
      %broadcast_in_dim3A_506 = vector.broadcast %jit3A_505 : f32 to vector<16xf32>
      %select_n3A_507 = arith.select %eq3A_504, %div3A, %broadcast_in_dim3A_506 : vector<16xi1>, vector<16xf32>
      %select_n3A_508 = arith.select %eq3A_501, %sub3A_304, %select_n3A_507 : vector<16xi1>, vector<16xf32>
      %swap3A_509 = arith.constant 14 : i32
      %swap3A_510 = arith.index_cast %swap3A_509 : i32 to index
      %swap3A_511 = arith.index_cast %mul3A_10 : i32 to index
      %swap3A_512 = tpu.vector_load %arg5[%swap3A_510, %swap3A_511] {strides = array<i32>} : memref<16x256xf32, #tpu.memory_space<vmem>>, vector<16xf32>,
      tpu.vector_store %arg5[%swap3A_510, %swap3A_511], %select_n3A_508 {strides = array<i32>} : memref<16x256xf32, #tpu.memory_space<vmem>>, vector<16xf32>,
      %eq3A_513 = arith.constant 15 : i32
      %eq3A_514 = vector.broadcast %eq3A_513 : i32 to vector<16xi32>
      %eq3A_515 = arith.cmpi eq, %select_n3A_298, %eq3A_514 : vector<16xi32>
      %eq3A_516 = arith.constant 15 : i32
      %eq3A_517 = vector.broadcast %eq3A_516 : i32 to vector<16xi32>
      %eq3A_518 = arith.cmpi eq, %select_n3A_294, %eq3A_517 : vector<16xi32>
      %jit3A_519 = arith.constant 0.000000e+00 : f32
      %broadcast_in_dim3A_520 = vector.broadcast %jit3A_519 : f32 to vector<16xf32>
      %select_n3A_521 = arith.select %eq3A_518, %div3A, %broadcast_in_dim3A_520 : vector<16xi1>, vector<16xf32>
      %select_n3A_522 = arith.select %eq3A_515, %sub3A_304, %select_n3A_521 : vector<16xi1>, vector<16xf32>
      %swap3A_523 = arith.constant 15 : i32
      %swap3A_524 = arith.index_cast %swap3A_523 : i32 to index
      %swap3A_525 = arith.index_cast %mul3A_10 : i32 to index
      %swap3A_526 = tpu.vector_load %arg5[%swap3A_524, %swap3A_525] {strides = array<i32>} : memref<16x256xf32, #tpu.memory_space<vmem>>, vector<16xf32>,
      tpu.vector_store %arg5[%swap3A_524, %swap3A_525], %select_n3A_522 {strides = array<i32>} : memref<16x256xf32, #tpu.memory_space<vmem>>, vector<16xf32>,
    }
    %scan3A_7 = arith.constant 16 : i32
    "tpu.region"() ({
      %run_scoped3A = tpu.sem_alloc : memref<!tpu.dma_semaphore, #tpu.memory_space<semaphore_mem>>
      %dma_start3A = arith.constant 0 : i32
      %dma_start3A_8 = tpu.memref_slice %arg3[%dma_start3A, %mul3A_2] : memref<16x8192xf32, #tpu.memory_space<hbm>> -> memref<16x256xf32, #tpu.memory_space<hbm>>
      %dma_start3A_9 = arith.constant 0 : i32
      %dma_start3A_10 = tpu.memref_slice %arg3[%dma_start3A_9, %mul3A_2] : memref<16x8192xf32, #tpu.memory_space<hbm>> -> memref<16x256xf32, #tpu.memory_space<hbm>>
      tpu.enqueue_dma source(%arg5 : memref<16x256xf32, #tpu.memory_space<vmem>>) target(%dma_start3A_10 : memref<16x256xf32, #tpu.memory_space<hbm>>) target_semaphore(%run_scoped3A : memref<!tpu.dma_semaphore, #tpu.memory_space<semaphore_mem>>)
      %dma_wait3A = arith.constant 0 : i32
      %dma_wait3A_11 = tpu.memref_slice %arg3[%dma_wait3A, %mul3A_2] : memref<16x8192xf32, #tpu.memory_space<hbm>> -> memref<16x256xf32, #tpu.memory_space<hbm>>
      %dma_wait3A_12 = arith.constant 0 : i32
      %dma_wait3A_13 = tpu.memref_slice %arg3[%dma_wait3A_12, %mul3A_2] : memref<16x8192xf32, #tpu.memory_space<hbm>> -> memref<16x256xf32, #tpu.memory_space<hbm>>
      tpu.wait_dma2 semaphore(%run_scoped3A : memref<!tpu.dma_semaphore, #tpu.memory_space<semaphore_mem>>) src(%arg5 : memref<16x256xf32, #tpu.memory_space<vmem>>) dst(%dma_wait3A_13 : memref<16x256xf32, #tpu.memory_space<hbm>>)
      tpu.yield
    }) : () -> ()
    return
  }
}

module attributes {stable_mosaic.version = 14 : i64} {
  func.func @_tc_body(%arg0: i32, %arg1: memref<512x1024xf32, #tpu.memory_space<vmem>>, %arg2: memref<16x512xf32, #tpu.memory_space<vmem>>, %arg3: memref<512x512xf32, #tpu.memory_space<vmem>>, %arg4: memref<512x1024xf32, #tpu.memory_space<vmem>>, %arg5: memref<16x1xf32, #tpu.memory_space<vmem>>, %arg6: memref<16x1xf32, #tpu.memory_space<vmem>>) attributes {dimension_semantics = [#tpu.dimension_semantics<arbitrary>], iteration_bounds = array<i64: 16>, scalar_prefetch = 0 : i64, scratch_operands = 1 : i64, tpu.core_type = #tpu.core_type<tc>, window_params = [{transform_indices = @transform_0, window_bounds = array<i64: 512, 1024>}, {transform_indices = @transform_1, window_bounds = array<i64: 16, 512>}, {pipeline_mode = #tpu.pipeline_mode<synchronous>, transform_indices = @transform_2, window_bounds = array<i64: 512, 512>}, {transform_indices = @transform_3, window_bounds = array<i64: 512, 1024>}, {pipeline_mode = #tpu.pipeline_mode<synchronous>, transform_indices = @transform_4, window_bounds = array<i64: 16, 1>}]} {
    %eq3A = arith.constant 0 : i32
    %eq3A_0 = arith.cmpi eq, %arg0, %eq3A : i32
    %convert_element_type3A = arith.extui %eq3A_0 : i1 to i32
    %cond3A = arith.constant 0 : i32
    %cond3A_1 = arith.cmpi ne, %convert_element_type3A, %cond3A : i32
    scf.if %cond3A_1 {
      %broadcast_in_dim3A_42 = arith.constant 0.000000e+00 : f32
      %broadcast_in_dim3A_43 = vector.broadcast %broadcast_in_dim3A_42 : f32 to vector<16x1xf32>
      %swap3A_44 = arith.constant 0 : index
      %swap3A_45 = arith.constant 0 : index
      %swap3A_46 = vector.load %arg6[%swap3A_44, %swap3A_45] : memref<16x1xf32, #tpu.memory_space<vmem>>, vector<16x1xf32>
      tpu.vector_store %arg6[%swap3A_44, %swap3A_45], %broadcast_in_dim3A_43 {strides = array<i32>} : memref<16x1xf32, #tpu.memory_space<vmem>>, vector<16x1xf32>,
    } else {
    }
    %get3A = arith.constant 0 : index
    %get3A_2 = arith.constant 0 : index
    %get3A_3 = vector.load %arg2[%get3A, %get3A_2] : memref<16x512xf32, #tpu.memory_space<vmem>>, vector<16x512xf32>
    %gt3A = arith.constant 0.000000e+00 : f32
    %gt3A_4 = vector.broadcast %gt3A : f32 to vector<16x512xf32>
    %gt3A_5 = arith.cmpf ogt, %get3A_3, %gt3A_4 : vector<16x512xf32>
    %convert_element_type3A_6 = arith.extui %gt3A_5 : vector<16x512xi1> to vector<16x512xi32>
    %convert_element_type3A_7 = arith.sitofp %convert_element_type3A_6 : vector<16x512xi32> to vector<16x512xf32>
    %get3A_8 = arith.constant 0 : index
    %get3A_9 = arith.constant 0 : index
    %get3A_10 = vector.load %arg3[%get3A_8, %get3A_9] : memref<512x512xf32, #tpu.memory_space<vmem>>, vector<512x512xf32>
    %dot_general3A = arith.constant dense<0.000000e+00> : vector<16x512xf32>
    %dot_general3A_11 = tpu.matmul %convert_element_type3A_7, %get3A_10, %dot_general3A {dimension_numbers = #tpu.dot_dimension_numbers<[1], [0], [0], [1], [0, 0, 1, 1], [], []>, transpose_lhs_hint = false} : vector<16x512xf32>, vector<512x512xf32>, vector<16x512xf32> -> vector<16x512xf32>
    %get3A_12 = arith.constant 0 : index
    %get3A_13 = arith.constant 0 : index
    %get3A_14 = vector.load %arg6[%get3A_12, %get3A_13] : memref<16x1xf32, #tpu.memory_space<vmem>>, vector<16x1xf32>
    %add3A = vector.broadcast %get3A_14 : vector<16x1xf32> to vector<16x512xf32>
    %add3A_15 = arith.addf %dot_general3A_11, %add3A : vector<16x512xf32>
    %lt3A = arith.constant 1.280000e+03 : f32
    %lt3A_16 = vector.broadcast %lt3A : f32 to vector<16x512xf32>
    %lt3A_17 = arith.cmpf olt, %add3A_15, %lt3A_16 : vector<16x512xf32>
    %jit3A = arith.constant 0.000000e+00 : f32
    %broadcast_in_dim3A = vector.broadcast %jit3A : f32 to vector<16x512xf32>
    %select_n3A = arith.select %lt3A_17, %get3A_3, %broadcast_in_dim3A : vector<16x512xi1>, vector<16x512xf32>
    %broadcast_in_dim3A_18 = arith.constant 1.000000e+00 : f32
    %broadcast_in_dim3A_19 = vector.broadcast %broadcast_in_dim3A_18 : f32 to vector<16x1xf32>
    %dot_general3A_20 = arith.constant dense<0.000000e+00> : vector<512x1xf32>
    %dot_general3A_21 = tpu.matmul %select_n3A, %broadcast_in_dim3A_19, %dot_general3A_20 {dimension_numbers = #tpu.dot_dimension_numbers<[0], [0], [1], [1], [0, 1, 1, 1], [], []>, transpose_lhs_hint = false} : vector<16x512xf32>, vector<16x1xf32>, vector<512x1xf32> -> vector<512x1xf32>
    %get3A_22 = arith.constant 0 : index
    %get3A_23 = arith.constant 0 : index
    %get3A_24 = vector.load %arg1[%get3A_22, %get3A_23] : memref<512x1024xf32, #tpu.memory_space<vmem>>, vector<512x1024xf32>
    %mul3A = vector.broadcast %dot_general3A_21 : vector<512x1xf32> to vector<512x1024xf32>
    %mul3A_25 = arith.mulf %get3A_24, %mul3A : vector<512x1024xf32>
    %swap3A = arith.constant 0 : index
    %swap3A_26 = arith.constant 0 : index
    %swap3A_27 = vector.load %arg4[%swap3A, %swap3A_26] : memref<512x1024xf32, #tpu.memory_space<vmem>>, vector<512x1024xf32>
    tpu.vector_store %arg4[%swap3A, %swap3A_26], %mul3A_25 {strides = array<i32>} : memref<512x1024xf32, #tpu.memory_space<vmem>>, vector<512x1024xf32>,
    %get3A_28 = arith.constant 0 : index
    %get3A_29 = arith.constant 0 : index
    %get3A_30 = vector.load %arg6[%get3A_28, %get3A_29] : memref<16x1xf32, #tpu.memory_space<vmem>>, vector<16x1xf32>
    %reduce_sum3A = arith.constant dense<0.000000e+00> : vector<16xf32>
    %reduce_sum3A_31 = vector.multi_reduction <add>, %convert_element_type3A_7, %reduce_sum3A [1] : vector<16x512xf32> to vector<16xf32>
    %broadcast_in_dim3A_32 = vector.shape_cast %reduce_sum3A_31 : vector<16xf32> to vector<16x1xf32>
    %add3A_33 = arith.addf %get3A_30, %broadcast_in_dim3A_32 : vector<16x1xf32>
    %swap3A_34 = arith.constant 0 : index
    %swap3A_35 = arith.constant 0 : index
    %swap3A_36 = vector.load %arg6[%swap3A_34, %swap3A_35] : memref<16x1xf32, #tpu.memory_space<vmem>>, vector<16x1xf32>
    tpu.vector_store %arg6[%swap3A_34, %swap3A_35], %add3A_33 {strides = array<i32>} : memref<16x1xf32, #tpu.memory_space<vmem>>, vector<16x1xf32>,
    %eq3A_37 = arith.constant 15 : i32
    %eq3A_38 = arith.cmpi eq, %arg0, %eq3A_37 : i32
    %convert_element_type3A_39 = arith.extui %eq3A_38 : i1 to i32
    %cond3A_40 = arith.constant 0 : i32
    %cond3A_41 = arith.cmpi ne, %convert_element_type3A_39, %cond3A_40 : i32
    scf.if %cond3A_41 {
      %get3A_42 = arith.constant 0 : index
      %get3A_43 = arith.constant 0 : index
      %get3A_44 = vector.load %arg6[%get3A_42, %get3A_43] : memref<16x1xf32, #tpu.memory_space<vmem>>, vector<16x1xf32>
      %min3A = arith.constant 1.280000e+03 : f32
      %min3A_45 = vector.broadcast %min3A : f32 to vector<16x1xf32>
      %min3A_46 = arith.minimumf %get3A_44, %min3A_45 : vector<16x1xf32>
      %swap3A_47 = arith.constant 0 : index
      %swap3A_48 = arith.constant 0 : index
      %swap3A_49 = vector.load %arg5[%swap3A_47, %swap3A_48] : memref<16x1xf32, #tpu.memory_space<vmem>>, vector<16x1xf32>
      tpu.vector_store %arg5[%swap3A_47, %swap3A_48], %min3A_46 {strides = array<i32>} : memref<16x1xf32, #tpu.memory_space<vmem>>, vector<16x1xf32>,
    } else {
    }
    return
  }
  func.func @transform_0(%arg0: i32) -> (i32, i32) {
    %c0_i32 = arith.constant 0 : i32
    %c0_i32_0 = arith.constant 0 : i32
    return %arg0, %c0_i32 : i32, i32
  }
  func.func @transform_1(%arg0: i32) -> (i32, i32) {
    %c0_i32 = arith.constant 0 : i32
    %c0_i32_0 = arith.constant 0 : i32
    return %c0_i32, %arg0 : i32, i32
  }
  func.func @transform_2(%arg0: i32) -> (i32, i32) {
    %c0_i32 = arith.constant 0 : i32
    %c0_i32_0 = arith.constant 0 : i32
    %c0_i32_1 = arith.constant 0 : i32
    return %c0_i32, %c0_i32_0 : i32, i32
  }
  func.func @transform_3(%arg0: i32) -> (i32, i32) {
    %c0_i32 = arith.constant 0 : i32
    %c0_i32_0 = arith.constant 0 : i32
    return %arg0, %c0_i32 : i32, i32
  }
  func.func @transform_4(%arg0: i32) -> (i32, i32) {
    %c0_i32 = arith.constant 0 : i32
    %c0_i32_0 = arith.constant 0 : i32
    %c0_i32_1 = arith.constant 0 : i32
    return %c0_i32, %c0_i32_0 : i32, i32
  }
}

</mosaic_0001>

<sc_bundles>
// kernel: kernel.4.cloned.1.call-start
scs
__scs_entry_jumppad:
0x0: {  	(pc) =	sbr.rel $0x88, $3  }
0x1: {  	(tag) =	ssettag $0x0;
	lr =	simm.s32 $0x1  }
0x2: {  	[smem:$0x3F9F] =	sst lr;
	_ =	strace $0xD0000000  }
0x3: {  	_ = 	snop  }
0x4: {  	_ = 	snop  }
0x5: {  	_ = 	snop  }
0x6: {  	_ = 	snop  }
0x7: {  	_ = 	snop  }
__scs_overlays_trampoline_lowered:
0x8: {  	[smem:$0x3FAE] =	sst s0  }
0x9: {  	[smem:$0x3FAF] =	sst s1  }
0xa: {  	[smem:$0x3FB0] =	sst s2  }
0xb: {  	[smem:$0x3FB1] =	sst s3  }
0xc: {  	[smem:$0x3FB2] =	sst s4  }
0xd: {  	[smem:$0x3FB3] =	sst s5  }
0xe: {  	[smem:$0x3FB4] =	sst s6  }
0xf: {  	[smem:$0x3FB5] =	sst s7  }
0x10: {  	[smem:$0x3FB6] =	sst s8  }
0x11: {  	[smem:$0x3FB7] =	sst s9;
	s0 =	simm.s32 @!p0 $0x0  }
0x12: {  	s1 =	sld [smem:$0x3F9D];
	s0 =	simm.s32 @p0 $0x1  }
0x13: {  	[smem:$0x3FB8] =	sst s0;
	s0 =	simm.s32 @!p1 $0x0  }
0x14: {  	s2 =	sld [smem:$0x3F9C];
	s0 =	simm.s32 @p1 $0x1  }
0x15: {  	[smem:$0x3FB9] =	sst s0;
	s0 =	simm.s32 @!p2 $0x0  }
0x16: {  	s3 =	sld [smem:$0x3FDB];
	s0 =	simm.s32 @p2 $0x1  }
0x17: {  	s4 =	simm.s32 $0x1BF5;
	[smem:$0x3FBB] =	sst s0  }
0x18: {  	s0 =	sld [smem:$0x3F9E];
	_ =	swait.ge [sflag:s4], $0x0  }
0x19: {  	s7 =	sld [smem:$0x3F9F]  }
0x1a: {  	s8 =	sadd.s32 $0xFFFFE003, lr  }
0x1b: {  	s9 =	sadd.s32 $0xFFFFFEF7, lr;
	s5 =	simm.s32 $0xFFFFFFFF;
	p2 =	slt.u32 s8, $0xFFFFF086  }
0x1c: {  	p1 =	slt.u32 s9, $0xF7A;
	s5 =	simm.s32 @!p2 $0x0  }
0x1d: {  	s5 =	simm.s32 @p1 $0x1;
	p0 =	seq.s32 s7, s2  }
0x1e: {  	s7 =	smul.u32 @!p0 $0xF7A, s2;
	p2 =	seq.s32 @!p0 s5, $0x0  }
0x1f: {  	s9 =	smul.u32 $0xF7A, s1;
	s8 =	simm.s32 @!p0 $0x1BF5;
	p2 =	por !p2, p0  }
0x20: {  	[sflag:s8] =	ssyncset.s32 @!p0 $0xFFFFF086;
	s6 =	sadd.s32 @!p0 s3, s7;
	s7 =	simm.s32 @!p0 $0x108  }
0x21: {  	s3 =	sadd.s32 s3, s9;
	s6 =	sadd.s32 @!p0 $0x88, s6;
	s7 =	simm.s32 @p2 $0x1082  }
0x22: {  	[simem:s7], [sflag:s8] =	dma.local @!p0 [hbm:s6], $0xF7A  }
0x23: {  	s9 =	sor.u32 $0xD0000000, s2;
	s6 =	simm.s32 $0x108;
	_ =	swait.ge @!p0 [sflag:s8], $0x0  }
0x24: {  	s3 =	sadd.s32 $0x88, s3;
	s6 =	simm.s32 @!p1 $0x1082;
	[sflag:s4] =	ssyncset.s32 $0xFFFFF086  }
0x25: {  	[simem:s6], [sflag:s4] =	dma.local [hbm:s3], $0xF7A  }
0x26: {  	[smem:$0x3F9F] =	sst s1;
	(tag) =	ssettag s2;
	_ =	strace s9  }
0x27: {  	s1 =	sld [smem:$0x3FAF]  }
0x28: {  	s2 =	sld [smem:$0x3FB0]  }
0x29: {  	s4 =	sld [smem:$0x3FB2]  }
0x2a: {  	p0 =	seq.s32 s5, $0x0;
	s5 =	sld [smem:$0x3FB3]  }
0x2b: {  	s6 =	sld [smem:$0x3FB4]  }
0x2c: {  	s7 =	sld [smem:$0x3FB5]  }
0x2d: {  	s3 =	simm.s32 $0x108;
	s8 =	sld [smem:$0x3FB6]  }
0x2e: {  	s3 =	simm.s32 @!p0 $0x1082;
	s9 =	sld [smem:$0x3FB7]  }
0x2f: {  	lr =	sadd.s32 s0, s3;
	s0 =	sld [smem:$0x3FAE]  }
0x30: {  	s3 =	sld [smem:$0x3FB1]  }
0x31: {  	[smem:$0x3FBA] =	sst s10  }
0x32: {  	s10 =	sld [smem:$0x3FB8];
	_ =	sdelay $0x3  }
0x33: {  	p0 =	seq.s32 s10, $0x1;
	s10 =	sld [smem:$0x3FBA];
	_ =	sdelay $0x3  }
0x34: {  	[smem:$0x3FBA] =	sst s10  }
0x35: {  	s10 =	sld [smem:$0x3FB9];
	_ =	sdelay $0x3  }
0x36: {  	p1 =	seq.s32 s10, $0x1;
	s10 =	sld [smem:$0x3FBA];
	_ =	sdelay $0x3  }
0x37: {  	[smem:$0x3FBA] =	sst s10  }
0x38: {  	s10 =	sld [smem:$0x3FBB]  }
0x39: {  	_ = 	snop;
	(pc) =	sbr.ind lr, $3  }
0x3a: {  	_ = 	snop  }
0x3b: {  	_ = 	snop  }
0x3c: {  	p2 =	seq.s32 s10, $0x1;
	s10 =	sld [smem:$0x3FBA]  }
0x3d: {  	_ =	shalt  }
0x3e: {  	_ =	shalt  }
0x3f: {  	_ =	shalt  }
0x40: {  	_ =	shalt  }
0x41: {  	_ =	shalt  }
0x42: {  	_ =	shalt  }
0x43: {  	_ =	shalt  }
0x44: {  	_ =	shalt  }
0x45: {  	_ =	shalt  }
0x46: {  	_ =	shalt  }
0x47: {  	_ =	shalt  }
0x48: {  	_ =	shalt  }
0x49: {  	_ =	shalt  }
0x4a: {  	_ =	shalt  }
0x4b: {  	_ =	shalt  }
0x4c: {  	_ =	shalt  }
0x4d: {  	_ =	shalt  }
0x4e: {  	_ =	shalt  }
0x4f: {  	_ =	shalt  }
0x50: {  	_ =	shalt  }
0x51: {  	_ =	shalt  }
0x52: {  	_ =	shalt  }
0x53: {  	_ =	shalt  }
0x54: {  	_ =	shalt  }
0x55: {  	_ =	shalt  }
0x56: {  	_ =	shalt  }
0x57: {  	_ =	shalt  }
0x58: {  	_ =	shalt  }
0x59: {  	_ =	shalt  }
0x5a: {  	_ =	shalt  }
0x5b: {  	_ =	shalt  }
0x5c: {  	_ =	shalt  }
0x5d: {  	_ =	shalt  }
0x5e: {  	_ =	shalt  }
0x5f: {  	_ =	shalt  }
0x60: {  	_ =	shalt  }
0x61: {  	_ =	shalt  }
0x62: {  	_ =	shalt  }
0x63: {  	_ =	shalt  }
0x64: {  	_ =	shalt  }
0x65: {  	_ =	shalt  }
0x66: {  	_ =	shalt  }
0x67: {  	_ =	shalt  }
0x68: {  	_ =	shalt  }
0x69: {  	_ =	shalt  }
0x6a: {  	_ =	shalt  }
0x6b: {  	_ =	shalt  }
0x6c: {  	_ =	shalt  }
0x6d: {  	_ =	shalt  }
0x6e: {  	_ =	shalt  }
0x6f: {  	_ =	shalt  }
0x70: {  	_ =	shalt  }
0x71: {  	_ =	shalt  }
0x72: {  	_ =	shalt  }
0x73: {  	_ =	shalt  }
0x74: {  	_ =	shalt  }
0x75: {  	_ =	shalt  }
0x76: {  	_ =	shalt  }
0x77: {  	_ =	shalt  }
0x78: {  	_ =	shalt  }
0x79: {  	_ =	shalt  }
0x7a: {  	_ =	shalt  }
0x7b: {  	_ =	shalt  }
0x7c: {  	_ =	shalt  }
0x7d: {  	_ =	shalt  }
0x7e: {  	_ =	shalt  }
0x7f: {  	_ =	shalt  }
0x80: {  	_ =	shalt  }
0x81: {  	_ =	shalt  }
0x82: {  	_ =	shalt  }
0x83: {  	_ =	shalt  }
0x84: {  	_ =	shalt  }
0x85: {  	_ =	shalt  }
0x86: {  	_ =	shalt  }
0x87: {  	_ =	shalt  }
.Lfunc_end0:
.L_simem_size_0:
called_computation_lowered:
.L_overlay_start_0:
0x88: {  	s2 =	sld [smem:$0x3FD9]  }
0x89: {  	s3 =	sld [smem:$0x3FFE];
	_ =	sdelay $0x1  }
0x8a: {  	s1 =	srdreg.scid  }
0x8b: {  	s0 =	sand.u32 $0x1, s1  }
0x8c: {  	s15 =	sshll.u32 s0, $0xA;
	s2 =	sadd.s32 s3, s2  }
0x8d: {  	s2 =	sadd.s32 s2, s15  }
0x8e: {  	[smem:$0x3FC6] =	sst s2  }
0x8f: {  	_ = 	snop  }
0x90: {  	s2 =	sld [smem:$0x3FD0];
	_ =	sdelay $0x2  }
0x91: {  	s4 =	simm.s32 $0xA;
	s5 =	simm.s32 $0x10;
	s16 =	sld [smem:$0x3FC8]  }
0x92: {  	[smem:s5], [sflag:s4] =	dma.local [hbm:s2], $0x1  }
0x93: {  	_ =	swait.eq [sflag:s4], $0x1  }
0x94: {  	[sflag:s4] =	ssyncset.done $0x0  }
0x95: {  	[sflag:s4] =	ssyncadd.s32 $0xFFFFFFFF  }
0x96: {  	s17 =	sld [smem:$0x10];
	(tm) =	ssettm $0x1  }
0x97: {  	s18 =	sld [smem:$0x3FFB];
	_ =	sdelay $0x3  }
0x98: {  	_ =	strace s18  }
0x99: {  	s4 =	sld [smem:$0x3FFC];
	_ =	sdelay $0x3  }
0x9a: {  	_ =	strace s4  }
0x9b: {  	s4 =	sld [smem:$0x3FFD];
	_ =	sdelay $0x3  }
0x9c: {  	_ =	strace s4  }
0x9d: {  	_ =	strace $0x8FFFFFFF  }
0x9e: {  	s19 =	sld [smem:$0x3FDB];
	_ =	sdelay $0x1  }
0x9f: {  	s20 =	simm.s32 $_scs_section_size  }
0xa0: {  	s6 =	simm.s32 $_size__tile_overlayer_lowered;
	s7 =	simm.s32 $_tile_overlayer_lowered  }
0xa1: {  	s23 =	simm.s32 $0x1BFF;
	s22 =	sshll.u32 s7, $0x1;
	s4 =	sadd.s32 s20, s19  }
0xa2: {  	s8 =	simm.s32 $0x0;
	s21 =	sshll.u32 s6, $0x1;
	s6 =	sadd.s32 s22, s4  }
0xa3: {  	[timem:s8], [sflag:s23] =	dma.local [hbm:s6], s21  }
0xa4: {  	_ =	swait.ge [sflag:s23], s21  }
0xa5: {  	s5 =	ssub.s32 $0x0, s21;
	[sflag:s23] =	ssyncset.done $0x0  }
0xa6: {  	[sflag:s23] =	ssyncadd.s32 s5;
	_ =	sdelay $0x1  }
0xa7: {  	s24 =	simm.s32 $0x1B8B  }
0xa8: {  	_ =	swait.ge [sflag:s24], $0x1  }
0xa9: {  	[sflag:s24] =	ssyncset.done $0x0  }
0xaa: {  	s25 =	simm.s32 $0x1B8E;
	[sflag:s24] =	ssyncadd.s32 $0xFFFFFFFF  }
0xab: {  	s26 =	simm.s32 $execute0_lowered;
	[smem:$0x3FD2] =	sst s25  }
0xac: {  	s5 =	sshll.u32 s26, $0x1;
	_ =	strace $0x80000046;
	[dreg:$0x1] =	wrdreg $0xFFFFFFFF  }
0xad: {  	s28 =	simm.s32 $_size_execute0_lowered;
	s4 =	sadd.s32 s4, s5;
	[dreg:$0x0] =	wrdreg $0x0  }
0xae: {  	s5 =	sshll.u32 s28, $0x1;
	[dreg:$0x2] =	wrdreg s4  }
0xaf: {  	[dreg:$0x3] =	wrdreg s5  }
0xb0: {  	[dreg:$0x4] =	wrdreg $0xC0  }
0xb1: {  	_ =	task [dreg:s8], $0x5FFFF  }
0xb2: {  	[dreg:$0x1] =	wrdreg $0xFFFFFFFF  }
0xb3: {  	[dreg:$0x0] =	wrdreg $0x60  }
0xb4: {  	[dreg:$0x2] =	wrdreg s16  }
0xb5: {  	[dreg:$0x3] =	wrdreg s17  }
0xb6: {  	[dreg:$0x4] =	wrdreg $0x9  }
0xb7: {  	_ =	task.clear_ibuf [dreg:s8], $0x5FFFF;
	_ =	strace $0x90000046  }
0xb8: {  	s29 =	simm.s32 $0x9;
	_ =	strace $0x80000048  }
0xb9: {  	_ =	swait.ge [sflag:s29], $0x1  }
0xba: {  	[sflag:s29] =	ssyncadd.s32 $0xFFFFFFFF  }
0xbb: {  	_ =	strace $0x90000048  }
0xbc: {  	_ =	sfence  }
0xbd: {  	s30 =	sld [smem:$0x0];
	_ =	sdelay $0x2  }
0xbe: {  	s31 =	sshll.u32 s1, $0xD;
	s1 =	sshrl.u32 s1, $0x2  }
0xbf: {  	s3 =	sand.u32 $0x4000, s31;
	s1 =	sadd.s32 s1, s30  }
0xc0: {  	s0 =	sor.u32 s3, s0;
	s1 =	sshll.u32 s1, $0x11  }
0xc1: {  	s0 =	sor.u32 s1, s0  }
0xc2: {  	s0 =	sadd.s32 $0x8F2B, s0  }
0xc3: {  	[sflag:s0] =	ssyncadd.remote.s32 $0x1  }
0xc4: {  	_ =	sfence.sel $0xFFFF  }
0xc5: {  	[dreg:$0x0] =	wrdreg $0xFFFFFFFF;
	(pc) =	sbr.abs _section_cstart, $3  }
0xc6: {  	[dreg:$0x1] =	wrdreg $0xFFFFFFFF  }
0xc7: {  	_ =	task.clear_ibuf [dreg:s8], $0x2FFFF;
	_ =	strace $0x9FFFFFFF  }
0xc8: {  	(tm) =	ssettm $0x7FFFFFFF  }
0xc9: {  	_ =	shalt  }
tec
execute0_lowered:
.L_overlay_start_1:
0x0: {  	(tag) =	ssettag $0x1  }
0x1: {  	s3 =	rddreg [dreg:$0x0]  }
0x2: {  	s4 =	rddreg [dreg:$0x1]  }
0x3: {  	s0 =	rddreg [dreg:$0x2];
	s2 =	simm.s32 $0x0;
	s5 =	srdreg.scid  }
0x4: {  	s1 =	stileid.u32;
	s9 =	simm.s32 $0x1000;
	s10 =	simm.s32 $0x0  }
0x5: {  	[smem:$0x7FF] =	sst s2;
	s5 =	sand.u32 $0x1, s5;
	s7 =	sshll.u32 s1, $0x9  }
0x6: {  	s6 =	ssub.s32 $0x2, s5;
	s5 =	sshll.u32 s5, $0x8;
	_ =	strace $0x80000047  }
0x7: {  	s8 =	sshrl.u32 s6, $0x1;
	s5 =	sor.u32 s5, s7;
	s7 =	simm.s32 $0x10000  }
0x8: {  	s6 =	ssub.s32 s6, s8;
	s3 =	sadd.s32 s3, s5;
	s4 =	sadd.s32 s4, s5  }
0x9: {  	v0 =	vimm.s32 $0x0;
	s8 =	simm.s32 $0x1;
	s5 =	smax.u32 s6, $0x1;
	s6 =	simm.s32 $0x800  }
.LBB2_1:
0xa: {  	[tilespmem:s2], [sflag:$0x1] =	stream.strided.gather [hbm4b:s3+s6], $0x1000, s7, s6, $0x38;
	[tilespmem:$0x2000] =	vst v63  }
0xb: {  	s11 =	sand.u32 $0xFFFFFC00, s2;
	_ =	swait.ge [sflag:s8], $0x1000  }
0xc: {  	s12 =	sand.u32 $0x70, s2;
	s13 =	sand.u32 $0x400, s2;
	[sflag:s8] =	ssyncset.done $0x0  }
0xd: {  	s13 =	sor.u32 s12, s13;
	s15 =	sadd.s32 $0x0, s11;
	[sflag:s8] =	ssyncadd.s32 $0xFFFFF000  }
0xe: {  	s11 =	sor.u32 $0x80, s15;
	v1 =	vld [tilespmem:s13+$0x0]  }
0xf: {  	v2 =	vld [tilespmem:s11+$0x0];
	_ =	sdelay $0x3  }
0x10: {  	v3 =	vld [tilespmem:s13+$0x100]  }
0x11: {  	vm13 =	vgt.f32 v2, v1;
	vm0 =	vlt.f32 v2, $-Inf;
	vm1 =	vgt.f32 v2, $-Inf  }
0x12: {  	vm2 =	vmneg vm13;
	vm0 =	vmor vm1, vm0  }
0x13: {  	s31 =	sor.u32 $0x180, s15;
	vm0 =	vmand vm2, vm0  }
0x14: {  	v62 =	vld [tilespmem:s31+$0x0];
	v5 =	vsel vm2, v1, v2;
	v2 =	vnsel vm0, $0xFF800000, v2  }
0x15: {  	vm12 =	vgt.f32 v3, v5;
	v1 =	vsel vm2, v2, v1  }
0x16: {  	v4 =	vimm.s32 $0x0;
	vm11 =	vmneg vm12;
	vm14 =	vgt.f32 v3, v1  }
0x17: {  	v4 =	vsel vm0, $0xFFFFFFFF, v4;
	v2 =	vimm.s32 $0x0;
	vm0 =	vmand vm11, vm14  }
0x18: {  	v6 =	vsel vm11, v5, v3;
	v2 =	vsel vm0, $0xFFFFFFFF, v2;
	v1 =	vsel vm0, v3, v1  }
0x19: {  	vm15 =	vgt.f32 v62, v6;
	[tilespmem:$0x1FF40] =	vst v2;
	v2 =	vld [tilespmem:s13+$0x200];
	v1 =	vsel vm11, v1, v5  }
0x1a: {  	vm10 =	vmneg vm15;
	vm4 =	vgt.f32 v62, v1  }
0x1b: {  	v3 =	vimm.s32 $0x0;
	vm0 =	vmand vm10, vm4  }
0x1c: {  	s14 =	sor.u32 $0x280, s15;
	v3 =	vsel vm0, $0xFFFFFFFF, v3  }
0x1d: {  	v63 =	vld [tilespmem:s14+$0x0];
	v1 =	vsel vm0, v62, v1;
	[tilespmem:$0x1FF50] =	vst v3;
	v3 =	vsel vm10, v6, v62  }
0x1e: {  	v1 =	vsel vm10, v1, v6;
	vm5 =	vgt.f32 v2, v3  }
0x1f: {  	vm6 =	vgt.f32 v2, v1;
	vm7 =	vmneg vm5  }
0x20: {  	vm0 =	vmand vm7, vm6  }
0x21: {  	v10 =	vld [tilespmem:s13+$0x300];
	v1 =	vsel vm0, v2, v1;
	v2 =	vsel vm7, v3, v2  }
0x22: {  	v1 =	vsel vm7, v1, v3;
	vm8 =	vgt.f32 v63, v2  }
0x23: {  	v9 =	vimm.s32 $0x0;
	vm8 =	vmneg vm8;
	vm9 =	vgt.f32 v63, v1  }
0x24: {  	s20 =	sor.u32 s2, s2;
	[tilespmem:$0x1FF30] =	vst v4;
	v4 =	vsel vm0, $0xFFFFFFFF, v9;
	v3 =	vimm.s32 $0x0;
	vm0 =	vmand vm8, vm9  }
0x25: {  	s16 =	sor.u32 $0x380, s20;
	v11 =	vsel vm8, v2, v63;
	v3 =	vsel vm0, $0xFFFFFFFF, v3;
	v1 =	vsel vm0, v63, v1  }
0x26: {  	vm12 =	vgt.f32 v10, v11;
	[tilespmem:$0x1FF70] =	vst v3;
	v3 =	vld [tilespmem:s16+$0x0];
	v1 =	vsel vm8, v1, v2  }
0x27: {  	vm9 =	vmneg vm12;
	vm14 =	vgt.f32 v10, v1  }
0x28: {  	v2 =	vimm.s32 $0x0;
	vm0 =	vmand vm9, vm14  }
0x29: {  	v2 =	vsel vm0, $0xFFFFFFFF, v2  }
0x2a: {  	v12 =	vsel vm9, v11, v10;
	v1 =	vsel vm0, v10, v1;
	[tilespmem:$0x1FF80] =	vst v2;
	v2 =	vld [tilespmem:s13+$0x800]  }
0x2b: {  	v1 =	vsel vm9, v1, v11;
	vm15 =	vgt.f32 v3, v12  }
0x2c: {  	vm4 =	vgt.f32 v3, v1;
	vm12 =	vmneg vm15  }
0x2d: {  	vm0 =	vmand vm12, vm4  }
0x2e: {  	s17 =	sor.u32 $0x880, s15;
	v14 =	vsel vm12, v12, v3;
	v1 =	vsel vm0, v3, v1  }
0x2f: {  	v15 =	vld [tilespmem:s17+$0x0];
	vm5 =	vgt.f32 v2, v14;
	v1 =	vsel vm12, v1, v12  }
0x30: {  	v13 =	vimm.s32 $0x0;
	vm14 =	vmneg vm5;
	vm6 =	vgt.f32 v2, v1  }
0x31: {  	[tilespmem:$0x1FF60] =	vst v4;
	v4 =	vsel vm0, $0xFFFFFFFF, v13;
	v3 =	vimm.s32 $0x0;
	vm0 =	vmand vm14, vm6  }
0x32: {  	v3 =	vsel vm0, $0xFFFFFFFF, v3  }
0x33: {  	v1 =	vsel vm0, v2, v1;
	v2 =	vsel vm14, v14, v2;
	[tilespmem:$0x1FFA0] =	vst v3;
	v3 =	vld [tilespmem:s13+$0x900]  }
0x34: {  	v1 =	vsel vm14, v1, v14;
	vm15 =	vgt.f32 v15, v2  }
0x35: {  	vm6 =	vmneg vm15;
	vm4 =	vgt.f32 v15, v1  }
0x36: {  	vm0 =	vmand vm6, vm4  }
0x37: {  	s18 =	sor.u32 $0x980, s15;
	v18 =	vsel vm6, v2, v15;
	v1 =	vsel vm0, v15, v1  }
0x38: {  	v17 =	vld [tilespmem:s18+$0x0];
	v1 =	vsel vm6, v1, v2;
	vm5 =	vgt.f32 v3, v18  }
0x39: {  	v16 =	vimm.s32 $0x0;
	vm15 =	vgt.f32 v3, v1;
	vm5 =	vmneg vm5  }
0x3a: {  	[tilespmem:$0x1FF90] =	vst v4;
	v4 =	vsel vm0, $0xFFFFFFFF, v16;
	v2 =	vimm.s32 $0x0;
	vm0 =	vmand vm5, vm15  }
0x3b: {  	v2 =	vsel vm0, $0xFFFFFFFF, v2  }
0x3c: {  	v1 =	vsel vm0, v3, v1;
	[tilespmem:$0x1FFC0] =	vst v2;
	v2 =	vsel vm5, v18, v3  }
0x3d: {  	v19 =	vld [tilespmem:s13+$0xA00];
	v1 =	vsel vm5, v1, v18;
	vm4 =	vgt.f32 v17, v2  }
0x3e: {  	vm15 =	vgt.f32 v17, v1;
	vm4 =	vmneg vm4  }
0x3f: {  	v3 =	vimm.s32 $0x0;
	vm0 =	vmand vm4, vm15  }
0x40: {  	s19 =	sor.u32 $0xA80, s15;
	[tilespmem:$0x1FFB0] =	vst v4;
	v3 =	vsel vm0, $0xFFFFFFFF, v3  }
0x41: {  	v4 =	vsel vm4, v2, v17;
	v1 =	vsel vm0, v17, v1;
	[tilespmem:$0x1FFD0] =	vst v3;
	v3 =	vld [tilespmem:s19+$0x0]  }
0x42: {  	vm15 =	vgt.f32 v19, v4;
	v1 =	vsel vm4, v1, v2  }
0x43: {  	vm3 =	vmneg vm15;
	vm15 =	vgt.f32 v19, v1  }
0x44: {  	v24 =	vld [tilespmem:$0x1FF30];
	v2 =	vimm.s32 $0x0;
	vm0 =	vmand vm3, vm15  }
0x45: {  	v25 =	vld [tilespmem:$0x1FF40];
	v20 =	vsel vm3, v4, v19;
	v2 =	vsel vm0, $0xFFFFFFFF, v2;
	v1 =	vsel vm0, v19, v1  }
0x46: {  	[tilespmem:$0x1FFE0] =	vst v2;
	v2 =	vld [tilespmem:s13+$0xB00];
	v1 =	vsel vm3, v1, v4;
	vm15 =	vgt.f32 v3, v20  }
0x47: {  	vm2 =	vmneg vm15;
	vm15 =	vgt.f32 v3, v1  }
0x48: {  	v21 =	vimm.s32 $0x0;
	s15 =	sor.u32 $0xB80, s20;
	vm0 =	vmand vm2, vm15  }
0x49: {  	v23 =	vld [tilespmem:s15+$0x0];
	v22 =	vsel vm2, v20, v3;
	v4 =	vsel vm0, $0xFFFFFFFF, v21;
	v1 =	vsel vm0, v3, v1  }
0x4a: {  	v26 =	vld [tilespmem:$0x1FF50];
	v3 =	vsel vm13, $0x1, v0;
	vm13 =	vnez.u8 v24;
	v1 =	vsel vm2, v1, v20  }
0x4b: {  	vm15 =	vgt.f32 v2, v22;
	v5 =	vsel vm13, $0x1, v0;
	vm13 =	vnez.u8 v25  }
0x4c: {  	[tilespmem:$0x1FFF0] =	vst v4;
	vm1 =	vmneg vm15;
	vm15 =	vgt.f32 v2, v1;
	v4 =	vsel vm13, $0x2, v5  }
0x4d: {  	v27 =	vld [tilespmem:$0x1FF60];
	vm15 =	vmand vm1, vm15;
	v4 =	vsel vm11, v4, v3  }
0x4e: {  	v3 =	vnsel vm11, $0x2, v3;
	v1 =	vsel vm15, v2, v1;
	v2 =	vsel vm1, v22, v2  }
0x4f: {  	v28 =	vld [tilespmem:$0x1FF70];
	vm11 =	vnez.u8 v26;
	v1 =	vsel vm1, v1, v22;
	vm0 =	vgt.f32 v23, v2  }
0x50: {  	v4 =	vsel vm11, $0x3, v4;
	vm0 =	vmneg vm0;
	vm13 =	vgt.f32 v23, v1  }
0x51: {  	v29 =	vld [tilespmem:$0x1FF80];
	v4 =	vsel vm10, v4, v3;
	vm13 =	vmand vm0, vm13  }
0x52: {  	v3 =	vnsel vm10, $0x3, v3;
	vm10 =	vnez.u8 v27;
	v1 =	vsel vm13, v23, v1  }
0x53: {  	v4 =	vsel vm10, $0x4, v4;
	v1 =	vsel vm0, v1, v2;
	v2 =	vsel vm0, v2, v23  }
0x54: {  	vm11 =	vnez.u8 v28;
	v1 =	vsub.f32 v1, v2;
	v2 =	vsel vm7, v4, v3  }
0x55: {  	v3 =	vnsel vm7, $0x4, v3;
	v2 =	vsel vm11, $0x5, v2  }
0x56: {  	vm10 =	vnez.u8 v29;
	v1 =	vmul.f32 $1.442695020e+00, v1;
	v2 =	vsel vm8, v2, v3  }
0x57: {  	v3 =	vnsel vm8, $0x5, v3;
	v2 =	vsel vm10, $0x6, v2  }
0x58: {  	(erf) = vpow2.f32 v1;
	v1 =	vsel vm9, v2, v3;
	v2 =	vnsel vm9, $0x6, v3;
	v3 =	vld [tilespmem:$0x1FF90];
	_ =	sdelay $0x4  }
0x59: {  	vm11 =	vnez.u8 v3;
	v3 =	vld [tilespmem:$0x1FFA0];
	_ =	sdelay $0x3  }
0x5a: {  	v1 =	vsel vm11, $0x7, v1  }
0x5b: {  	v1 =	vsel vm12, v1, v2;
	v2 =	vnsel vm12, $0x7, v2;
	vm12 =	vnez.u8 v3;
	v3 =	vld [tilespmem:$0x1FFB0];
	_ =	sdelay $0x3  }
0x5c: {  	v1 =	vsel vm12, $0x8, v1  }
0x5d: {  	v1 =	vsel vm14, v1, v2;
	v2 =	vnsel vm14, $0x8, v2;
	vm14 =	vnez.u8 v3;
	v3 =	vld [tilespmem:$0x1FFC0];
	_ =	sdelay $0x1  }
0x5e: {  	v30 =	vld [tilespmem:$0x1FFD0];
	_ =	sdelay $0x1  }
0x5f: {  	v32 =	vld [tilespmem:$0x1FFE0];
	v1 =	vsel vm14, $0x9, v1  }
0x60: {  	v1 =	vsel vm6, v1, v2;
	vm9 =	vnez.u8 v3  }
0x61: {  	v33 =	vld [tilespmem:$0x1FFF0];
	v2 =	vnsel vm6, $0x9, v2;
	v1 =	vsel vm9, $0xA, v1  }
0x62: {  	vm10 =	vnez.u8 v30;
	v3 =	vpop (erf);
	v1 =	vsel vm5, v1, v2  }
0x63: {  	v31 =	vadd.f32 $1.000000000e+00, v3;
	v2 =	vnsel vm5, $0xA, v2;
	v1 =	vsel vm10, $0xB, v1  }
0x64: {  	vm11 =	vnez.u8 v32;
	v1 =	vsel vm4, v1, v2  }
0x65: {  	(erf) = vrcp.f32 v31;
	v2 =	vnsel vm4, $0xB, v2;
	v1 =	vsel vm11, $0xC, v1  }
0x66: {  	vm12 =	vnez.u8 v33;
	v1 =	vsel vm3, v1, v2  }
0x67: {  	v2 =	vnsel vm3, $0xC, v2;
	v1 =	vsel vm12, $0xD, v1  }
0x68: {  	v1 =	vsel vm2, v1, v2  }
0x69: {  	v2 =	vnsel vm2, $0xD, v2;
	v1 =	vsel vm15, $0xE, v1  }
0x6a: {  	v34 =	vnsel vm1, $0xE, v2;
	v1 =	vsel vm1, v1, v2  }
0x6b: {  	v2 =	vnsel vm0, $0xF, v34;
	v1 =	vsel vm13, $0xF, v1  }
0x6c: {  	vm1 =	veq.s32 v2, $0xD;
	vm4 =	veq.s32 v2, $0xA;
	vm3 =	veq.s32 v2, $0xB  }
0x6d: {  	vm2 =	veq.s32 v2, $0xC;
	vm7 =	veq.s32 v2, $0x7;
	vm6 =	veq.s32 v2, $0x8  }
0x6e: {  	vm5 =	veq.s32 v2, $0x9;
	vm9 =	veq.s32 v2, $0x5;
	vm8 =	veq.s32 v2, $0x6;
	v35 =	vpop (erf)  }
0x6f: {  	vm10 =	veq.s32 v2, $0x1;
	vm11 =	veq.s32 v2, $0x3;
	v3 =	vmul.f32 v35, v3  }
0x70: {  	vm12 =	veq.s32 v2, $0x4;
	vm13 =	veq.s32 v2, $0x0;
	v1 =	vsel vm0, v1, v34  }
0x71: {  	vm15 =	veq.s32 v2, $0x2;
	vm14 =	veq.s32 v1, $0x0;
	v4 =	vsub.f32 $1.000000000e+00, v3  }
0x72: {  	vm0 =	veq.s32 v2, $0xE;
	v36 =	vnsel vm14, $0x0, v3;
	vm14 =	veq.s32 v1, $0x1  }
0x73: {  	v37 =	vnsel vm14, $0x0, v3;
	v5 =	vsel vm13, v4, v36;
	vm13 =	veq.s32 v1, $0x2  }
0x74: {  	v38 =	vsel vm10, v4, v37;
	[tilespmem:s13+$0x1000] =	vst v5;
	v39 =	vnsel vm13, $0x0, v3;
	vm13 =	veq.s32 v1, $0x3  }
0x75: {  	vm14 =	veq.s32 v1, $0x4;
	[tilespmem:s11+$0x1000] =	vst v38;
	v40 =	vsel vm15, v4, v39;
	v41 =	vnsel vm13, $0x0, v3  }
0x76: {  	v43 =	vnsel vm14, $0x0, v3;
	vm15 =	veq.s32 v1, $0x5;
	[tilespmem:s13+$0x1100] =	vst v40;
	v42 =	vsel vm11, v4, v41  }
0x77: {  	v44 =	vsel vm12, v4, v43;
	vm12 =	veq.s32 v1, $0x6;
	v45 =	vnsel vm15, $0x0, v3;
	[tilespmem:s31+$0x1000] =	vst v42  }
0x78: {  	v47 =	vnsel vm12, $0x0, v3;
	vm13 =	veq.s32 v1, $0x7;
	v46 =	vsel vm9, v4, v45;
	[tilespmem:s13+$0x1200] =	vst v44  }
0x79: {  	vm14 =	veq.s32 v1, $0x8;
	v48 =	vsel vm8, v4, v47;
	v49 =	vnsel vm13, $0x0, v3;
	[tilespmem:s14+$0x1000] =	vst v46  }
0x7a: {  	v51 =	vnsel vm14, $0x0, v3;
	vm15 =	veq.s32 v1, $0x9;
	v50 =	vsel vm7, v4, v49;
	[tilespmem:s13+$0x1300] =	vst v48  }
0x7b: {  	v52 =	vsel vm6, v4, v51;
	v53 =	vnsel vm15, $0x0, v3;
	vm9 =	veq.s32 v1, $0xA;
	[tilespmem:s16+$0x1000] =	vst v50  }
0x7c: {  	vm10 =	veq.s32 v1, $0xB;
	v54 =	vsel vm5, v4, v53;
	v55 =	vnsel vm9, $0x0, v3;
	[tilespmem:s13+$0x1800] =	vst v52  }
0x7d: {  	v57 =	vnsel vm10, $0x0, v3;
	vm11 =	veq.s32 v1, $0xC;
	v56 =	vsel vm4, v4, v55;
	[tilespmem:s17+$0x1000] =	vst v54  }
0x7e: {  	v58 =	vsel vm3, v4, v57;
	vm12 =	veq.s32 v1, $0xD;
	v59 =	vnsel vm11, $0x0, v3;
	[tilespmem:s13+$0x1900] =	vst v56  }
0x7f: {  	v61 =	vnsel vm12, $0x0, v3;
	vm13 =	veq.s32 v1, $0xE;
	v60 =	vsel vm2, v4, v59;
	[tilespmem:s18+$0x1000] =	vst v58  }
0x80: {  	vm14 =	veq.s32 v1, $0xF;
	v62 =	vsel vm1, v4, v61;
	v63 =	vnsel vm13, $0x0, v3;
	[tilespmem:s13+$0x1A00] =	vst v60  }
0x81: {  	s12 =	simm.s32 $0x80;
	s11 =	simm.s32 $0x10;
	vm15 =	veq.s32 v2, $0xF;
	v2 =	vnsel vm14, $0x0, v3;
	v1 =	vsel vm0, v4, v63;
	s16 =	simm.s32 $0x20;
	[tilespmem:s19+$0x1000] =	vst v62  }
0x82: {  	s17 =	sand.u32 $0xFFFFFC00, s12;
	s18 =	sand.u32 $0x70, s11;
	s19 =	sand.u32 $0x400, s12;
	[tilespmem:s13+$0x1B00] =	vst v1;
	v1 =	vsel vm15, v4, v2  }
.LBB2_2:
0x83: {  	s13 =	sor.u32 s18, s19  }
0x84: {  	s22 =	sadd.s32 s17, s11;
	[tilespmem:s15+$0x1000] =	vst v1;
	s19 =	smov.u32 s16;
	s14 =	sadd.s32 $0x10, s16  }
0x85: {  	p0 =	sne.s32 s16, $0xF0;
	v1 =	vld [tilespmem:s13+$0x0];
	s16 =	sor.u32 $0x80, s22  }
0x86: {  	v2 =	vld [tilespmem:s16+$0x0];
	_ =	sdelay $0x2  }
0x87: {  	v3 =	vld [tilespmem:s13+$0x100];
	_ =	sdelay $0x1  }
0x88: {  	vm0 =	vgt.f32 v2, v1;
	vm1 =	vlt.f32 v2, $-Inf;
	vm2 =	vgt.f32 v2, $-Inf  }
0x89: {  	s17 =	sor.u32 $0x180, s22;
	vm3 =	vmneg vm0;
	vm1 =	vmor vm2, vm1  }
0x8a: {  	v4 =	vld [tilespmem:s17+$0x0];
	vm1 =	vmand vm3, vm1;
	v5 =	vsel vm3, v1, v2  }
0x8b: {  	v2 =	vnsel vm1, $0xFF800000, v2;
	vm2 =	vgt.f32 v3, v5  }
0x8c: {  	v1 =	vsel vm3, v2, v1  }
0x8d: {  	v2 =	vsel vm0, $0x1, v0;
	vm0 =	vmneg vm2;
	vm2 =	vgt.f32 v3, v1  }
0x8e: {  	v7 =	vsel vm1, $0x1, v0;
	v8 =	vsel vm0, v5, v3;
	v6 =	vld [tilespmem:s13+$0x200];
	vm1 =	vmand vm0, vm2  }
0x8f: {  	v1 =	vsel vm1, v3, v1;
	v3 =	vsel vm1, $0x2, v7;
	vm1 =	vgt.f32 v4, v8  }
0x90: {  	v1 =	vsel vm0, v1, v5;
	v3 =	vsel vm0, v3, v2  }
0x91: {  	vm1 =	vmneg vm1;
	vm2 =	vgt.f32 v4, v1  }
0x92: {  	s18 =	sor.u32 $0x280, s22;
	v2 =	vnsel vm0, $0x2, v2;
	v5 =	vsel vm1, v8, v4;
	vm0 =	vmand vm1, vm2  }
0x93: {  	v7 =	vld [tilespmem:s18+$0x0];
	v1 =	vsel vm0, v4, v1;
	v3 =	vsel vm0, $0x3, v3;
	vm0 =	vgt.f32 v6, v5  }
0x94: {  	v1 =	vsel vm1, v1, v8;
	v3 =	vsel vm1, v3, v2;
	v2 =	vnsel vm1, $0x3, v2  }
0x95: {  	vm0 =	vmneg vm0;
	vm1 =	vgt.f32 v6, v1  }
0x96: {  	v8 =	vnsel vm0, $0x4, v2;
	v4 =	vld [tilespmem:s13+$0x300];
	vm1 =	vmand vm0, vm1  }
0x97: {  	v1 =	vsel vm1, v6, v1;
	v3 =	vsel vm1, $0x4, v3;
	v6 =	vsel vm0, v5, v6  }
0x98: {  	s15 =	sor.u32 s11, s12;
	s11 =	smov.u32 s19;
	v1 =	vsel vm0, v1, v5;
	v2 =	vsel vm0, v3, v2;
	vm0 =	vgt.f32 v7, v6  }
0x99: {  	s19 =	sor.u32 $0x380, s15;
	vm0 =	vmneg vm0;
	vm1 =	vgt.f32 v7, v1  }
0x9a: {  	v3 =	vld [tilespmem:s19+$0x0];
	vm1 =	vmand vm0, vm1;
	v5 =	vsel vm0, v6, v7  }
0x9b: {  	v1 =	vsel vm1, v7, v1;
	v2 =	vsel vm1, $0x5, v2;
	vm1 =	vgt.f32 v4, v5  }
0x9c: {  	v1 =	vsel vm0, v1, v6;
	v2 =	vsel vm0, v2, v8  }
0x9d: {  	vm1 =	vmneg vm1;
	vm2 =	vgt.f32 v4, v1  }
0x9e: {  	v7 =	vsel vm1, v5, v4;
	v6 =	vld [tilespmem:s13+$0x800];
	vm2 =	vmand vm1, vm2  }
0x9f: {  	v8 =	vnsel vm0, $0x5, v8;
	v1 =	vsel vm2, v4, v1;
	vm0 =	vgt.f32 v3, v7  }
0xa0: {  	v4 =	vnsel vm1, $0x6, v8;
	v1 =	vsel vm1, v1, v5  }
0xa1: {  	v2 =	vsel vm2, $0x6, v2;
	vm0 =	vmneg vm0;
	vm2 =	vgt.f32 v3, v1  }
0xa2: {  	s20 =	sor.u32 $0x880, s22;
	v2 =	vsel vm1, v2, v8;
	v5 =	vsel vm0, v7, v3;
	vm1 =	vmand vm0, vm2  }
0xa3: {  	v8 =	vld [tilespmem:s20+$0x0];
	v1 =	vsel vm1, v3, v1;
	v2 =	vsel vm1, $0x7, v2;
	vm1 =	vgt.f32 v6, v5  }
0xa4: {  	v1 =	vsel vm0, v1, v7;
	v2 =	vsel vm0, v2, v4  }
0xa5: {  	v3 =	vnsel vm0, $0x7, v4;
	vm0 =	vmneg vm1;
	vm1 =	vgt.f32 v6, v1  }
0xa6: {  	v4 =	vnsel vm0, $0x8, v3;
	vm1 =	vmand vm0, vm1  }
0xa7: {  	v7 =	vld [tilespmem:s13+$0x900];
	v1 =	vsel vm1, v6, v1;
	v2 =	vsel vm1, $0x8, v2;
	v6 =	vsel vm0, v5, v6  }
0xa8: {  	v1 =	vsel vm0, v1, v5;
	v2 =	vsel vm0, v2, v3;
	vm0 =	vgt.f32 v8, v6  }
0xa9: {  	s21 =	sor.u32 $0x980, s22;
	vm0 =	vmneg vm0;
	vm1 =	vgt.f32 v8, v1  }
0xaa: {  	v3 =	vld [tilespmem:s21+$0x0];
	vm1 =	vmand vm0, vm1  }
0xab: {  	v5 =	vsel vm0, v6, v8;
	v1 =	vsel vm1, v8, v1;
	v2 =	vsel vm1, $0x9, v2  }
0xac: {  	v1 =	vsel vm0, v1, v6;
	v2 =	vsel vm0, v2, v4;
	vm1 =	vgt.f32 v7, v5  }
0xad: {  	vm1 =	vmneg vm1;
	vm2 =	vgt.f32 v7, v1  }
0xae: {  	v4 =	vnsel vm0, $0x9, v4;
	vm0 =	vmand vm1, vm2;
	v6 =	vsel vm1, v5, v7  }
0xaf: {  	v8 =	vld [tilespmem:s13+$0xA00];
	v1 =	vsel vm0, v7, v1;
	v2 =	vsel vm0, $0xA, v2;
	vm0 =	vgt.f32 v3, v6  }
0xb0: {  	v1 =	vsel vm1, v1, v5;
	v2 =	vsel vm1, v2, v4  }
0xb1: {  	v4 =	vnsel vm1, $0xA, v4;
	vm0 =	vmneg vm0;
	vm1 =	vgt.f32 v3, v1  }
0xb2: {  	s22 =	sor.u32 $0xA80, s22;
	v5 =	vnsel vm0, $0xB, v4;
	vm1 =	vmand vm0, vm1  }
0xb3: {  	v7 =	vld [tilespmem:s22+$0x0];
	v1 =	vsel vm1, v3, v1;
	v2 =	vsel vm1, $0xB, v2;
	v3 =	vsel vm0, v6, v3  }
0xb4: {  	v1 =	vsel vm0, v1, v6;
	v2 =	vsel vm0, v2, v4;
	vm0 =	vgt.f32 v8, v3  }
0xb5: {  	vm0 =	vmneg vm0;
	vm1 =	vgt.f32 v8, v1  }
0xb6: {  	v4 =	vld [tilespmem:s13+$0xB00];
	vm1 =	vmand vm0, vm1;
	v6 =	vnsel vm0, $0xC, v5  }
0xb7: {  	v1 =	vsel vm1, v8, v1;
	v2 =	vsel vm1, $0xC, v2;
	v8 =	vsel vm0, v3, v8  }
0xb8: {  	v1 =	vsel vm0, v1, v3;
	v2 =	vsel vm0, v2, v5;
	vm0 =	vgt.f32 v7, v8  }
0xb9: {  	vm0 =	vmneg vm0;
	vm1 =	vgt.f32 v7, v1  }
0xba: {  	s15 =	sor.u32 $0xB80, s15;
	vm1 =	vmand vm0, vm1;
	v3 =	vsel vm0, v8, v7  }
0xbb: {  	v5 =	vld [tilespmem:s15+$0x0];
	v1 =	vsel vm1, v7, v1;
	v2 =	vsel vm1, $0xD, v2;
	vm1 =	vgt.f32 v4, v3  }
0xbc: {  	v1 =	vsel vm0, v1, v8;
	v2 =	vsel vm0, v2, v6  }
0xbd: {  	vm1 =	vmneg vm1;
	vm2 =	vgt.f32 v4, v1  }
0xbe: {  	vm2 =	vmand vm1, vm2  }
0xbf: {  	v1 =	vsel vm2, v4, v1;
	v2 =	vsel vm2, $0xE, v2;
	v4 =	vsel vm1, v3, v4  }
0xc0: {  	v6 =	vnsel vm0, $0xD, v6;
	v3 =	vsel vm1, v1, v3;
	vm0 =	vgt.f32 v5, v4  }
0xc1: {  	v7 =	vnsel vm1, $0xE, v6;
	vm0 =	vmneg vm0;
	vm2 =	vgt.f32 v5, v3  }
0xc2: {  	v2 =	vsel vm1, v2, v6;
	vm1 =	vmand vm0, vm2;
	v1 =	vnsel vm0, $0xF, v7  }
0xc3: {  	v3 =	vsel vm1, v5, v3;
	v2 =	vsel vm1, $0xF, v2  }
0xc4: {  	v3 =	vsel vm0, v3, v4;
	v2 =	vsel vm0, v2, v7;
	v4 =	vsel vm0, v4, v5  }
0xc5: {  	v3 =	vsub.f32 v3, v4;
	_ =	sdelay $0x1  }
0xc6: {  	v3 =	vmul.f32 $1.442695020e+00, v3;
	_ =	sdelay $0x1  }
0xc7: {  	(erf) = vpow2.f32 v3;
	_ =	sdelay $0x8  }
0xc8: {  	v3 =	vpop (erf)  }
0xc9: {  	v4 =	vadd.f32 $1.000000000e+00, v3;
	_ =	sdelay $0x1  }
0xca: {  	(erf) = vrcp.f32 v4;
	_ =	sdelay $0x6  }
0xcb: {  	vm1 =	veq.s32 v1, $0xD;
	vm0 =	veq.s32 v1, $0xE  }
0xcc: {  	vm4 =	veq.s32 v1, $0xA;
	vm3 =	veq.s32 v1, $0xB;
	vm2 =	veq.s32 v1, $0xC  }
0xcd: {  	vm7 =	veq.s32 v1, $0x7;
	vm6 =	veq.s32 v1, $0x8;
	vm5 =	veq.s32 v1, $0x9;
	v4 =	vpop (erf)  }
0xce: {  	vm9 =	veq.s32 v1, $0x5;
	vm8 =	veq.s32 v1, $0x6;
	v3 =	vmul.f32 v4, v3  }
0xcf: {  	vm10 =	veq.s32 v1, $0x1;
	vm11 =	veq.s32 v1, $0x3;
	vm12 =	veq.s32 v1, $0x4  }
0xd0: {  	vm13 =	veq.s32 v1, $0x0;
	vm14 =	veq.s32 v2, $0x0;
	v4 =	vsub.f32 $1.000000000e+00, v3  }
0xd1: {  	vm15 =	veq.s32 v1, $0x2;
	v5 =	vnsel vm14, $0x0, v3;
	vm14 =	veq.s32 v2, $0x1  }
0xd2: {  	v6 =	vnsel vm14, $0x0, v3;
	v5 =	vsel vm13, v4, v5;
	vm13 =	veq.s32 v2, $0x2  }
0xd3: {  	[tilespmem:s13+$0x1000] =	vst v5;
	v5 =	vsel vm10, v4, v6;
	v6 =	vnsel vm13, $0x0, v3;
	vm10 =	veq.s32 v2, $0x3  }
0xd4: {  	[tilespmem:s16+$0x1000] =	vst v5;
	v5 =	vsel vm15, v4, v6;
	v6 =	vnsel vm10, $0x0, v3;
	vm10 =	veq.s32 v2, $0x4  }
0xd5: {  	[tilespmem:s13+$0x1100] =	vst v5;
	v5 =	vsel vm11, v4, v6;
	v6 =	vnsel vm10, $0x0, v3;
	vm10 =	veq.s32 v2, $0x5  }
0xd6: {  	[tilespmem:s17+$0x1000] =	vst v5;
	v5 =	vsel vm12, v4, v6;
	v6 =	vnsel vm10, $0x0, v3;
	vm10 =	veq.s32 v2, $0x6  }
0xd7: {  	[tilespmem:s13+$0x1200] =	vst v5;
	v5 =	vsel vm9, v4, v6;
	v6 =	vnsel vm10, $0x0, v3;
	vm9 =	veq.s32 v2, $0x7  }
0xd8: {  	[tilespmem:s18+$0x1000] =	vst v5;
	v5 =	vsel vm8, v4, v6;
	v6 =	vnsel vm9, $0x0, v3;
	vm8 =	veq.s32 v2, $0x8  }
0xd9: {  	[tilespmem:s13+$0x1300] =	vst v5;
	v5 =	vsel vm7, v4, v6;
	v6 =	vnsel vm8, $0x0, v3;
	vm7 =	veq.s32 v2, $0x9  }
0xda: {  	[tilespmem:s19+$0x1000] =	vst v5;
	v5 =	vsel vm6, v4, v6;
	v6 =	vnsel vm7, $0x0, v3;
	vm6 =	veq.s32 v2, $0xA  }
0xdb: {  	[tilespmem:s13+$0x1800] =	vst v5;
	v5 =	vsel vm5, v4, v6;
	v6 =	vnsel vm6, $0x0, v3;
	vm5 =	veq.s32 v2, $0xB  }
0xdc: {  	[tilespmem:s20+$0x1000] =	vst v5;
	v5 =	vsel vm4, v4, v6;
	v6 =	vnsel vm5, $0x0, v3;
	vm4 =	veq.s32 v2, $0xC  }
.Ltmp0:
0xdd: {  	[tilespmem:s13+$0x1900] =	vst v5;
	v5 =	vsel vm3, v4, v6;
	v6 =	vnsel vm4, $0x0, v3;
	vm3 =	veq.s32 v2, $0xD;
	(pc) =	sbr.rel @p0 .LBB2_2-.Ltmp0, $4  }
0xde: {  	[tilespmem:s21+$0x1000] =	vst v5;
	v5 =	vsel vm2, v4, v6;
	v6 =	vnsel vm3, $0x0, v3;
	vm2 =	veq.s32 v2, $0xE  }
0xdf: {  	[tilespmem:s13+$0x1A00] =	vst v5;
	v5 =	vsel vm1, v4, v6;
	v6 =	vnsel vm2, $0x0, v3;
	vm1 =	veq.s32 v2, $0xF  }
0xe0: {  	s12 =	sadd.s32 $0x80, s12;
	s16 =	smov.u32 s14;
	[tilespmem:s22+$0x1000] =	vst v5;
	v2 =	vsel vm0, v4, v6;
	vm0 =	veq.s32 v1, $0xF;
	v1 =	vnsel vm1, $0x0, v3  }
0xe1: {  	s17 =	sand.u32 $0xFFFFFC00, s12;
	s18 =	sand.u32 $0x70, s11;
	s19 =	sand.u32 $0x400, s12;
	[tilespmem:s13+$0x1B00] =	vst v2;
	v1 =	vsel vm0, v4, v1  }
0xe2: {  	s13 =	sor.u32 s18, s19;
	s28 =	sadd.s32 s17, s11;
	[tilespmem:s15+$0x1000] =	vst v1  }
0xe3: {  	v1 =	vld [tilespmem:s13+$0x0];
	s14 =	sor.u32 $0x80, s28  }
0xe4: {  	v2 =	vld [tilespmem:s14+$0x0];
	_ =	sdelay $0x3  }
0xe5: {  	v3 =	vld [tilespmem:s13+$0x100]  }
0xe6: {  	vm13 =	vgt.f32 v2, v1;
	vm0 =	vlt.f32 v2, $-Inf;
	vm1 =	vgt.f32 v2, $-Inf  }
0xe7: {  	vm2 =	vmneg vm13;
	vm0 =	vmor vm1, vm0  }
0xe8: {  	s29 =	sor.u32 $0x180, s28;
	vm0 =	vmand vm2, vm0  }
0xe9: {  	v62 =	vld [tilespmem:s29+$0x0];
	v5 =	vsel vm2, v1, v2;
	v2 =	vnsel vm0, $0xFF800000, v2  }
0xea: {  	vm12 =	vgt.f32 v3, v5;
	v1 =	vsel vm2, v2, v1  }
0xeb: {  	v4 =	vimm.s32 $0x0;
	vm11 =	vmneg vm12;
	vm14 =	vgt.f32 v3, v1  }
0xec: {  	v4 =	vsel vm0, $0xFFFFFFFF, v4;
	v2 =	vimm.s32 $0x0;
	vm0 =	vmand vm11, vm14  }
0xed: {  	v6 =	vsel vm11, v5, v3;
	v2 =	vsel vm0, $0xFFFFFFFF, v2;
	v1 =	vsel vm0, v3, v1  }
0xee: {  	vm15 =	vgt.f32 v62, v6;
	[tilespmem:$0x1FE70] =	vst v2;
	v2 =	vld [tilespmem:s13+$0x200];
	v1 =	vsel vm11, v1, v5  }
0xef: {  	vm10 =	vmneg vm15;
	vm4 =	vgt.f32 v62, v1  }
0xf0: {  	v3 =	vimm.s32 $0x0;
	vm0 =	vmand vm10, vm4  }
0xf1: {  	s16 =	sor.u32 $0x280, s28;
	v3 =	vsel vm0, $0xFFFFFFFF, v3  }
0xf2: {  	v63 =	vld [tilespmem:s16+$0x0];
	v1 =	vsel vm0, v62, v1;
	[tilespmem:$0x1FE80] =	vst v3;
	v3 =	vsel vm10, v6, v62  }
0xf3: {  	v1 =	vsel vm10, v1, v6;
	vm5 =	vgt.f32 v2, v3  }
0xf4: {  	vm6 =	vgt.f32 v2, v1;
	vm7 =	vmneg vm5  }
0xf5: {  	vm0 =	vmand vm7, vm6  }
0xf6: {  	v10 =	vld [tilespmem:s13+$0x300];
	v1 =	vsel vm0, v2, v1;
	v2 =	vsel vm7, v3, v2  }
0xf7: {  	v1 =	vsel vm7, v1, v3;
	vm8 =	vgt.f32 v63, v2  }
0xf8: {  	v9 =	vimm.s32 $0x0;
	vm8 =	vmneg vm8;
	vm9 =	vgt.f32 v63, v1  }
0xf9: {  	s30 =	sor.u32 s11, s12;
	[tilespmem:$0x1FE60] =	vst v4;
	v4 =	vsel vm0, $0xFFFFFFFF, v9;
	v3 =	vimm.s32 $0x0;
	vm0 =	vmand vm8, vm9  }
0xfa: {  	s11 =	sor.u32 $0x380, s30;
	v11 =	vsel vm8, v2, v63;
	v3 =	vsel vm0, $0xFFFFFFFF, v3;
	v1 =	vsel vm0, v63, v1  }
0xfb: {  	vm12 =	vgt.f32 v10, v11;
	[tilespmem:$0x1FEA0] =	vst v3;
	v3 =	vld [tilespmem:s11+$0x0];
	v1 =	vsel vm8, v1, v2  }
0xfc: {  	vm9 =	vmneg vm12;
	vm14 =	vgt.f32 v10, v1  }
0xfd: {  	v2 =	vimm.s32 $0x0;
	vm0 =	vmand vm9, vm14  }
0xfe: {  	v2 =	vsel vm0, $0xFFFFFFFF, v2  }
0xff: {  	v12 =	vsel vm9, v11, v10;
	v1 =	vsel vm0, v10, v1;
	[tilespmem:$0x1FEB0] =	vst v2;
	v2 =	vld [tilespmem:s13+$0x800]  }
0x100: {  	v1 =	vsel vm9, v1, v11;
	vm15 =	vgt.f32 v3, v12  }
0x101: {  	vm4 =	vgt.f32 v3, v1;
	vm12 =	vmneg vm15  }
0x102: {  	vm0 =	vmand vm12, vm4  }
0x103: {  	s31 =	sor.u32 $0x880, s28;
	v14 =	vsel vm12, v12, v3;
	v1 =	vsel vm0, v3, v1  }
0x104: {  	v15 =	vld [tilespmem:s31+$0x0];
	vm5 =	vgt.f32 v2, v14;
	v1 =	vsel vm12, v1, v12  }
0x105: {  	v13 =	vimm.s32 $0x0;
	vm14 =	vmneg vm5;
	vm6 =	vgt.f32 v2, v1  }
0x106: {  	[tilespmem:$0x1FE90] =	vst v4;
	v4 =	vsel vm0, $0xFFFFFFFF, v13;
	v3 =	vimm.s32 $0x0;
	vm0 =	vmand vm14, vm6  }
0x107: {  	v3 =	vsel vm0, $0xFFFFFFFF, v3  }
0x108: {  	v1 =	vsel vm0, v2, v1;
	v2 =	vsel vm14, v14, v2;
	[tilespmem:$0x1FED0] =	vst v3;
	v3 =	vld [tilespmem:s13+$0x900]  }
0x109: {  	v1 =	vsel vm14, v1, v14;
	vm15 =	vgt.f32 v15, v2  }
0x10a: {  	vm6 =	vmneg vm15;
	vm4 =	vgt.f32 v15, v1  }
0x10b: {  	vm0 =	vmand vm6, vm4  }
0x10c: {  	s17 =	sor.u32 $0x980, s28;
	v18 =	vsel vm6, v2, v15;
	v1 =	vsel vm0, v15, v1  }
0x10d: {  	v17 =	vld [tilespmem:s17+$0x0];
	v1 =	vsel vm6, v1, v2;
	vm5 =	vgt.f32 v3, v18  }
0x10e: {  	v16 =	vimm.s32 $0x0;
	vm15 =	vgt.f32 v3, v1;
	vm5 =	vmneg vm5  }
0x10f: {  	[tilespmem:$0x1FEC0] =	vst v4;
	v4 =	vsel vm0, $0xFFFFFFFF, v16;
	v2 =	vimm.s32 $0x0;
	vm0 =	vmand vm5, vm15  }
0x110: {  	v2 =	vsel vm0, $0xFFFFFFFF, v2  }
0x111: {  	v1 =	vsel vm0, v3, v1;
	[tilespmem:$0x1FEF0] =	vst v2;
	v2 =	vsel vm5, v18, v3  }
0x112: {  	v19 =	vld [tilespmem:s13+$0xA00];
	v1 =	vsel vm5, v1, v18;
	vm4 =	vgt.f32 v17, v2  }
0x113: {  	vm15 =	vgt.f32 v17, v1;
	vm4 =	vmneg vm4  }
0x114: {  	v3 =	vimm.s32 $0x0;
	vm0 =	vmand vm4, vm15  }
0x115: {  	s18 =	sor.u32 $0xA80, s28;
	[tilespmem:$0x1FEE0] =	vst v4;
	v3 =	vsel vm0, $0xFFFFFFFF, v3  }
0x116: {  	v4 =	vsel vm4, v2, v17;
	v1 =	vsel vm0, v17, v1;
	[tilespmem:$0x1FF00] =	vst v3;
	v3 =	vld [tilespmem:s18+$0x0]  }
0x117: {  	vm15 =	vgt.f32 v19, v4;
	v1 =	vsel vm4, v1, v2  }
0x118: {  	vm3 =	vmneg vm15;
	vm15 =	vgt.f32 v19, v1  }
0x119: {  	v24 =	vld [tilespmem:$0x1FE60];
	v2 =	vimm.s32 $0x0;
	vm0 =	vmand vm3, vm15  }
0x11a: {  	v25 =	vld [tilespmem:$0x1FE70];
	v20 =	vsel vm3, v4, v19;
	v2 =	vsel vm0, $0xFFFFFFFF, v2;
	v1 =	vsel vm0, v19, v1  }
0x11b: {  	[tilespmem:$0x1FF10] =	vst v2;
	v2 =	vld [tilespmem:s13+$0xB00];
	v1 =	vsel vm3, v1, v4;
	vm15 =	vgt.f32 v3, v20  }
0x11c: {  	vm2 =	vmneg vm15;
	vm15 =	vgt.f32 v3, v1  }
0x11d: {  	v21 =	vimm.s32 $0x0;
	s19 =	sor.u32 $0xB80, s30;
	vm0 =	vmand vm2, vm15  }
0x11e: {  	v23 =	vld [tilespmem:s19+$0x0];
	v22 =	vsel vm2, v20, v3;
	v4 =	vsel vm0, $0xFFFFFFFF, v21;
	v1 =	vsel vm0, v3, v1  }
0x11f: {  	v26 =	vld [tilespmem:$0x1FE80];
	v3 =	vsel vm13, $0x1, v0;
	vm13 =	vnez.u8 v24;
	v1 =	vsel vm2, v1, v20  }
0x120: {  	vm15 =	vgt.f32 v2, v22;
	v5 =	vsel vm13, $0x1, v0;
	vm13 =	vnez.u8 v25  }
0x121: {  	[tilespmem:$0x1FF20] =	vst v4;
	vm1 =	vmneg vm15;
	vm15 =	vgt.f32 v2, v1;
	v4 =	vsel vm13, $0x2, v5  }
0x122: {  	v27 =	vld [tilespmem:$0x1FE90];
	vm15 =	vmand vm1, vm15;
	v4 =	vsel vm11, v4, v3  }
0x123: {  	v3 =	vnsel vm11, $0x2, v3;
	v1 =	vsel vm15, v2, v1;
	v2 =	vsel vm1, v22, v2  }
0x124: {  	v28 =	vld [tilespmem:$0x1FEA0];
	vm11 =	vnez.u8 v26;
	v1 =	vsel vm1, v1, v22;
	vm0 =	vgt.f32 v23, v2  }
0x125: {  	v4 =	vsel vm11, $0x3, v4;
	vm0 =	vmneg vm0;
	vm13 =	vgt.f32 v23, v1  }
0x126: {  	v29 =	vld [tilespmem:$0x1FEB0];
	v4 =	vsel vm10, v4, v3;
	vm13 =	vmand vm0, vm13  }
0x127: {  	v3 =	vnsel vm10, $0x3, v3;
	vm10 =	vnez.u8 v27;
	v1 =	vsel vm13, v23, v1  }
0x128: {  	v4 =	vsel vm10, $0x4, v4;
	v1 =	vsel vm0, v1, v2;
	v2 =	vsel vm0, v2, v23  }
0x129: {  	vm11 =	vnez.u8 v28;
	v1 =	vsub.f32 v1, v2;
	v2 =	vsel vm7, v4, v3  }
0x12a: {  	v3 =	vnsel vm7, $0x4, v3;
	v2 =	vsel vm11, $0x5, v2  }
0x12b: {  	vm10 =	vnez.u8 v29;
	v1 =	vmul.f32 $1.442695020e+00, v1;
	v2 =	vsel vm8, v2, v3  }
0x12c: {  	v3 =	vnsel vm8, $0x5, v3;
	v2 =	vsel vm10, $0x6, v2  }
0x12d: {  	(erf) = vpow2.f32 v1;
	v1 =	vsel vm9, v2, v3;
	v2 =	vnsel vm9, $0x6, v3;
	v3 =	vld [tilespmem:$0x1FEC0];
	_ =	sdelay $0x4  }
0x12e: {  	vm11 =	vnez.u8 v3;
	v3 =	vld [tilespmem:$0x1FED0];
	_ =	sdelay $0x3  }
0x12f: {  	v1 =	vsel vm11, $0x7, v1  }
0x130: {  	v1 =	vsel vm12, v1, v2;
	v2 =	vnsel vm12, $0x7, v2;
	vm12 =	vnez.u8 v3;
	v3 =	vld [tilespmem:$0x1FEE0];
	_ =	sdelay $0x3  }
0x131: {  	v1 =	vsel vm12, $0x8, v1  }
0x132: {  	v1 =	vsel vm14, v1, v2;
	v2 =	vnsel vm14, $0x8, v2;
	vm14 =	vnez.u8 v3;
	v3 =	vld [tilespmem:$0x1FEF0];
	_ =	sdelay $0x1  }
0x133: {  	v30 =	vld [tilespmem:$0x1FF00];
	_ =	sdelay $0x1  }
0x134: {  	v32 =	vld [tilespmem:$0x1FF10];
	v1 =	vsel vm14, $0x9, v1  }
0x135: {  	v1 =	vsel vm6, v1, v2;
	vm9 =	vnez.u8 v3  }
0x136: {  	v33 =	vld [tilespmem:$0x1FF20];
	v2 =	vnsel vm6, $0x9, v2;
	v1 =	vsel vm9, $0xA, v1  }
0x137: {  	vm10 =	vnez.u8 v30;
	v3 =	vpop (erf);
	v1 =	vsel vm5, v1, v2  }
0x138: {  	v31 =	vadd.f32 $1.000000000e+00, v3;
	v2 =	vnsel vm5, $0xA, v2;
	v1 =	vsel vm10, $0xB, v1  }
0x139: {  	vm11 =	vnez.u8 v32;
	v1 =	vsel vm4, v1, v2  }
0x13a: {  	(erf) = vrcp.f32 v31;
	v2 =	vnsel vm4, $0xB, v2;
	v1 =	vsel vm11, $0xC, v1  }
0x13b: {  	vm12 =	vnez.u8 v33;
	v1 =	vsel vm3, v1, v2  }
0x13c: {  	v2 =	vnsel vm3, $0xC, v2;
	v1 =	vsel vm12, $0xD, v1  }
0x13d: {  	v1 =	vsel vm2, v1, v2  }
0x13e: {  	v2 =	vnsel vm2, $0xD, v2;
	v1 =	vsel vm15, $0xE, v1  }
0x13f: {  	v34 =	vnsel vm1, $0xE, v2;
	v1 =	vsel vm1, v1, v2  }
0x140: {  	v2 =	vnsel vm0, $0xF, v34;
	v1 =	vsel vm13, $0xF, v1  }
0x141: {  	vm1 =	veq.s32 v2, $0xD;
	vm4 =	veq.s32 v2, $0xA;
	vm3 =	veq.s32 v2, $0xB  }
0x142: {  	vm2 =	veq.s32 v2, $0xC;
	vm7 =	veq.s32 v2, $0x7;
	vm6 =	veq.s32 v2, $0x8  }
0x143: {  	vm5 =	veq.s32 v2, $0x9;
	vm9 =	veq.s32 v2, $0x5;
	vm8 =	veq.s32 v2, $0x6;
	v35 =	vpop (erf)  }
0x144: {  	vm10 =	veq.s32 v2, $0x1;
	vm11 =	veq.s32 v2, $0x3;
	v3 =	vmul.f32 v35, v3  }
0x145: {  	vm12 =	veq.s32 v2, $0x4;
	vm13 =	veq.s32 v2, $0x0;
	v1 =	vsel vm0, v1, v34  }
0x146: {  	vm15 =	veq.s32 v2, $0x2;
	vm14 =	veq.s32 v1, $0x0;
	v4 =	vsub.f32 $1.000000000e+00, v3  }
0x147: {  	vm0 =	veq.s32 v2, $0xE;
	v36 =	vnsel vm14, $0x0, v3;
	vm14 =	veq.s32 v1, $0x1  }
0x148: {  	v37 =	vnsel vm14, $0x0, v3;
	v5 =	vsel vm13, v4, v36;
	vm13 =	veq.s32 v1, $0x2  }
0x149: {  	v38 =	vsel vm10, v4, v37;
	[tilespmem:s13+$0x1000] =	vst v5;
	v39 =	vnsel vm13, $0x0, v3;
	vm13 =	veq.s32 v1, $0x3  }
0x14a: {  	vm14 =	veq.s32 v1, $0x4;
	[tilespmem:s14+$0x1000] =	vst v38;
	v40 =	vsel vm15, v4, v39;
	v41 =	vnsel vm13, $0x0, v3  }
0x14b: {  	v43 =	vnsel vm14, $0x0, v3;
	vm15 =	veq.s32 v1, $0x5;
	[tilespmem:s13+$0x1100] =	vst v40;
	v42 =	vsel vm11, v4, v41  }
0x14c: {  	v44 =	vsel vm12, v4, v43;
	vm12 =	veq.s32 v1, $0x6;
	v45 =	vnsel vm15, $0x0, v3;
	[tilespmem:s29+$0x1000] =	vst v42  }
0x14d: {  	v47 =	vnsel vm12, $0x0, v3;
	vm13 =	veq.s32 v1, $0x7;
	v46 =	vsel vm9, v4, v45;
	[tilespmem:s13+$0x1200] =	vst v44  }
0x14e: {  	vm14 =	veq.s32 v1, $0x8;
	v48 =	vsel vm8, v4, v47;
	v49 =	vnsel vm13, $0x0, v3;
	[tilespmem:s16+$0x1000] =	vst v46  }
0x14f: {  	v51 =	vnsel vm14, $0x0, v3;
	vm15 =	veq.s32 v1, $0x9;
	v50 =	vsel vm7, v4, v49;
	[tilespmem:s13+$0x1300] =	vst v48  }
0x150: {  	v52 =	vsel vm6, v4, v51;
	v53 =	vnsel vm15, $0x0, v3;
	vm9 =	veq.s32 v1, $0xA;
	[tilespmem:s11+$0x1000] =	vst v50  }
0x151: {  	vm10 =	veq.s32 v1, $0xB;
	v54 =	vsel vm5, v4, v53;
	v55 =	vnsel vm9, $0x0, v3;
	[tilespmem:s13+$0x1800] =	vst v52  }
0x152: {  	v57 =	vnsel vm10, $0x0, v3;
	vm11 =	veq.s32 v1, $0xC;
	v56 =	vsel vm4, v4, v55;
	[tilespmem:s31+$0x1000] =	vst v54  }
0x153: {  	v58 =	vsel vm3, v4, v57;
	vm12 =	veq.s32 v1, $0xD;
	v59 =	vnsel vm11, $0x0, v3;
	[tilespmem:s13+$0x1900] =	vst v56  }
0x154: {  	v61 =	vnsel vm12, $0x0, v3;
	vm13 =	veq.s32 v1, $0xE;
	v60 =	vsel vm2, v4, v59;
	[tilespmem:s17+$0x1000] =	vst v58  }
0x155: {  	vm14 =	veq.s32 v1, $0xF;
	v62 =	vsel vm1, v4, v61;
	v63 =	vnsel vm13, $0x0, v3;
	[tilespmem:s13+$0x1A00] =	vst v60  }
0x156: {  	s10 =	sadd.s32 $0x1, s10;
	vm15 =	veq.s32 v2, $0xF;
	v2 =	vnsel vm14, $0x0, v3;
	v1 =	vsel vm0, v4, v63;
	[tilespmem:s18+$0x1000] =	vst v62  }
0x157: {  	p0 =	sne.s32 s10, s5;
	[tilespmem:s13+$0x1B00] =	vst v1;
	v1 =	vsel vm15, v4, v2  }
.Ltmp1:
0x158: {  	[tilespmem:s19+$0x1000] =	vst v1;
	(pc) =	sbr.rel @p0 .LBB2_1-.Ltmp1, $4  }
0x159: {  	[hbm4b:s4+s6] =	stream.strided.scatter [tilespmem:s9], [sflag:$0x1], $0x1000, s7, s6, $0x38;
	[tilespmem:$0x2000] =	vst v63  }
0x15a: {  	_ =	swait.ge [sflag:s8], $0x1000  }
0x15b: {  	[sflag:s8] =	ssyncset.done $0x0  }
0x15c: {  	[sflag:s8] =	ssyncadd.s32 $0xFFFFF000  }
0x15d: {  	_ =	sfence.sel $0x180000  }
0x15e: {  	[bflag:$0x0] =	sbarrier.arrive $0xFFFF  }
0x15f: {  	p0 =	sne.s32 s1, $0x0;
	_ =	strace $0x90000047  }
0x160: {  	s0 =	sadd.s32 @!p0 $0x100000, s0;
	[bflag:$0x2] =	sbarrier.arrive $0xFFFF  }
0x161: {  	[sflag:s0] =	ssyncadd.tile.s32 @!p0 $0x1;
	_ =	shalt  }
.Lfunc_end2:
_tile_overlayer_lowered:
.L_overlay_start_2:
0x162: {  	(tag) =	ssettag $0x2  }
0x163: {  	s0 =	rddreg [dreg:$0x0];
	s2 =	stileid.u32  }
0x164: {  	s1 =	rddreg [dreg:$0x1];
	p0 =	sne.s32 s2, $0x0  }
0x165: {  	s3 =	rddreg [dreg:$0x2];
	[bflag:$0x3] =	sbarrier.arrive $0xFFFF;
	s2 =	simm.s32 @!p0 $0x1C01  }
0x166: {  	[timem:s3], [sflag:s2] =	dma.local @!p0 [hbm:s0], s1  }
0x167: {  	s0 =	simm.s32 @!p0 $0x1  }
0x168: {  	_ =	swait.ge @!p0 [sflag:s0], s1  }
0x169: {  	s1 =	ssub.s32 @!p0 $0x0, s1;
	[sflag:s0] =	ssyncset.done @!p0 $0x0  }
0x16a: {  	[sflag:s0] =	ssyncadd.s32 @!p0 s1  }
0x16b: {  	[bflag:$0x3] =	sbarrier.arrive $0xFFFF  }
0x16c: {  	_ =	shalt  }

</sc_bundles>
